<compile_context>
chip_gen: v7x
topology: tpu7x:2x2x1
jax: 0.10.2.dev20260603
libtpu: 0.0.44.dev20260713+nightly
codegen_flags: <defaults>
</compile_context>

<pallas_src>
import functools

import jax
import jax.numpy as jnp
from jax import lax
from jax.experimental import pallas as pl
from jax.experimental.pallas import tpu as pltpu
from jax.experimental.pallas import tpu_sc as plsc

_N = 16384
_NSUB = 16
_CHUNK = _N // _NSUB
_VECS = _CHUNK // 16

_mesh = plsc.VectorSubcoreMesh(
    core_axis_name="c", subcore_axis_name="s", num_cores=1
)


@functools.partial(
    pl.kernel,
    out_type=jax.ShapeDtypeStruct((16,), jnp.float32),
    mesh=_mesh,
    scratch_types=[
        pltpu.VMEM((2 * _CHUNK,), jnp.float32),
        pltpu.VMEM((_CHUNK,), jnp.int32),
        pltpu.VMEM((_CHUNK,), jnp.int32),
        pltpu.VMEM((128,), jnp.float32),
        pltpu.VMEM((_NSUB, 128), jnp.float32),
        pltpu.VMEM_SHARED((_NSUB, 128), jnp.float32),
        pltpu.SemaphoreType.DMA,
        pltpu.SemaphoreType.DMA,
        pltpu.SemaphoreType.DMA,
    ],
)
def _diff_eopp_sc(yp_hbm, s_hbm, yg_hbm, out_hbm,
                  yp_v, s_v, y_v, part_v, all_v, shared,
                  sem0, sem1, sem2):
    sid = lax.axis_index("s")
    base = sid * _CHUNK
    cp0 = pltpu.async_copy(yp_hbm.at[pl.ds(base * 2, 2 * _CHUNK)], yp_v, sem0)
    cp1 = pltpu.async_copy(s_hbm.at[pl.ds(base, _CHUNK)], s_v, sem1)
    cp2 = pltpu.async_copy(yg_hbm.at[pl.ds(base, _CHUNK)], y_v, sem2)
    cp0.wait()
    cp1.wait()
    cp2.wait()

    zero = jnp.zeros((16,), jnp.float32)
    lane = lax.iota(jnp.int32, 16)
    deint_idx = (2 * lane + 1) % 16
    low_half = lane < 8

    def body(i, carry):
        s0, c0, s1, c1 = carry
        for k in range(2):
            off = i * 32 + k * 16
            sv = s_v[pl.ds(off, 16)]
            yv = y_v[pl.ds(off, 16)]
            a = yp_v[pl.ds(2 * off, 16)]
            b = yp_v[pl.ds(2 * off + 16, 16)]
            ga = a.at[deint_idx].get(mode="promise_in_bounds")
            gb = b.at[deint_idx].get(mode="promise_in_bounds")
            yp = jnp.where(low_half, ga, gb)
            m1i = yv * sv
            m1 = m1i.astype(jnp.float32)
            m0 = (yv - m1i).astype(jnp.float32)
            s0, c0, s1, c1 = s0 + yp * m0, c0 + m0, s1 + yp * m1, c1 + m1
        return (s0, c0, s1, c1)

    s0, c0, s1, c1 = plsc.parallel_loop(
        0, _VECS // 2, unroll=4, carry=(zero, zero, zero, zero)
    )(body)

    def lanesum(v):
        for d in (8, 4, 2, 1):
            v = v + v.at[lane ^ d].get(mode="promise_in_bounds")
        return v

    packed = jnp.where(lane == 0, lanesum(s0),
             jnp.where(lane == 1, lanesum(c0),
             jnp.where(lane == 2, lanesum(s1), lanesum(c1))))
    part_v[pl.ds(0, 16)] = packed
    pltpu.sync_copy(part_v, shared.at[sid])
    plsc.subcore_barrier()

    @pl.when(sid == 0)
    def _():
        pltpu.sync_copy(shared, all_v)
        tot = zero
        for j in range(_NSUB):
            tot = tot + all_v[j, pl.ds(0, 16)]
        idx02 = jnp.where(low_half, 0, 2)
        idx13 = idx02 + 1
        num = tot.at[idx02].get(mode="promise_in_bounds")
        den = tot.at[idx13].get(mode="promise_in_bounds")
        mean = num / den
        other = mean.at[lane ^ 8].get(mode="promise_in_bounds")
        res = jnp.abs(mean - other)
        part_v[pl.ds(0, 16)] = res
        pltpu.sync_copy(part_v.at[pl.ds(0, 16)], out_hbm)


def kernel(y_pred, s, y_gt):
    out = _diff_eopp_sc(y_pred.reshape(-1), s, y_gt)
    return out[0]

# --- scband reference (transcript-rebuilt; emitter-appended) ---
"""Pipeline reference for scband-diff-eopp-14439680049196 (READ-ONLY COPY).

The authoritative reference and input builder live on the scoring server;
editing this copy changes nothing except your own understanding.
"""

import jax, jax.numpy as jnp
import numpy as np

N = 16384

def setup_inputs(seed: int = 0) -> dict:
    key = jax.random.key(seed)
    k1, k2, k3 = jax.random.split(key, 3)
    y_pred = jax.random.normal(k1, (N, 2), dtype=jnp.float32)
    s = jax.random.randint(k2, (N,), 0, 2, dtype=jnp.int32)
    y_gt = jax.random.randint(k3, (N,), 0, 2, dtype=jnp.int32)
    return {"y_pred": y_pred, "s": s, "y_gt": y_gt}

def reference(y_pred, s, y_gt):
    # num_classes == 2 path: take positive-class score
    yp = y_pred[:, 1].reshape(-1)
    s_f = s.reshape(-1)
    y_f = y_gt.reshape(-1)
    # select y_gt == 1 rows; emulate boolean indexing with masked weighted means
    m = (y_f == 1)
    m0 = jnp.logical_and(m, s_f == 0).astype(yp.dtype)
    m1 = jnp.logical_and(m, s_f == 1).astype(yp.dtype)
    mean0 = jnp.sum(yp * m0) / jnp.sum(m0)
    mean1 = jnp.sum(yp * m1) / jnp.sum(m1)
    reg_loss = jnp.abs(mean0 - mean1)
    return reg_loss

if __name__ == "__main__":
    import jax
    _d = setup_inputs()
    print(jax.jit(kernel)(*tuple(_d.values())))

</pallas_src>

<mosaic_0001>
#map = affine_map<(d0, d1) -> (0)>
module attributes {stable_mosaic.version = 14 : i64} {
  func.func @_diff_eopp_sc(%arg0: i32, %arg1: i32, %arg2: memref<32768xf32, #tpu.memory_space<hbm>>, %arg3: memref<16384xi32, #tpu.memory_space<hbm>>, %arg4: memref<16384xi32, #tpu.memory_space<hbm>>, %arg5: memref<16xf32, #tpu.memory_space<hbm>>, %arg6: memref<2048xf32, #tpu.memory_space<vmem>>, %arg7: memref<1024xi32, #tpu.memory_space<vmem>>, %arg8: memref<1024xi32, #tpu.memory_space<vmem>>, %arg9: memref<128xf32, #tpu.memory_space<vmem>>, %arg10: memref<16x128xf32, #tpu.memory_space<vmem>>, %arg11: memref<16x128xf32, #tpu.memory_space<vmem_shared>>, %arg12: memref<!tpu.dma_semaphore, #tpu.memory_space<semaphore_mem>>, %arg13: memref<!tpu.dma_semaphore, #tpu.memory_space<semaphore_mem>>, %arg14: memref<!tpu.dma_semaphore, #tpu.memory_space<semaphore_mem>>) attributes {dimension_semantics = [#tpu.dimension_semantics<core_parallel>, #tpu.dimension_semantics<subcore_parallel>], iteration_bounds = array<i64: 1, 16>, scalar_prefetch = 0 : i64, scratch_operands = 9 : i64, tpu.core_type = #tpu.core_type<sc_vector_subcore>, window_params = [{transform_indices = #map}, {transform_indices = #map}, {transform_indices = #map}, {transform_indices = #map}]} {
    %mul3A = arith.constant 1024 : i32
    %mul3A_0 = arith.muli %arg1, %mul3A : i32
    %mul3A_1 = arith.constant 2 : i32
    %mul3A_2 = arith.muli %mul3A_0, %mul3A_1 : i32
    %dma_start3A = tpu.memref_slice %arg2[%mul3A_2] : memref<32768xf32, #tpu.memory_space<hbm>> -> memref<2048xf32, #tpu.memory_space<hbm>>
    %dma_start3A_3 = tpu.memref_slice %arg2[%mul3A_2] : memref<32768xf32, #tpu.memory_space<hbm>> -> memref<2048xf32, #tpu.memory_space<hbm>>
    tpu.enqueue_dma source(%dma_start3A_3 : memref<2048xf32, #tpu.memory_space<hbm>>) target(%arg6 : memref<2048xf32, #tpu.memory_space<vmem>>) target_semaphore(%arg12 : memref<!tpu.dma_semaphore, #tpu.memory_space<semaphore_mem>>)
    %dma_start3A_4 = tpu.memref_slice %arg3[%mul3A_0] : memref<16384xi32, #tpu.memory_space<hbm>> -> memref<1024xi32, #tpu.memory_space<hbm>>
    %dma_start3A_5 = tpu.memref_slice %arg3[%mul3A_0] : memref<16384xi32, #tpu.memory_space<hbm>> -> memref<1024xi32, #tpu.memory_space<hbm>>
    tpu.enqueue_dma source(%dma_start3A_5 : memref<1024xi32, #tpu.memory_space<hbm>>) target(%arg7 : memref<1024xi32, #tpu.memory_space<vmem>>) target_semaphore(%arg13 : memref<!tpu.dma_semaphore, #tpu.memory_space<semaphore_mem>>)
    %dma_start3A_6 = tpu.memref_slice %arg4[%mul3A_0] : memref<16384xi32, #tpu.memory_space<hbm>> -> memref<1024xi32, #tpu.memory_space<hbm>>
    %dma_start3A_7 = tpu.memref_slice %arg4[%mul3A_0] : memref<16384xi32, #tpu.memory_space<hbm>> -> memref<1024xi32, #tpu.memory_space<hbm>>
    tpu.enqueue_dma source(%dma_start3A_7 : memref<1024xi32, #tpu.memory_space<hbm>>) target(%arg8 : memref<1024xi32, #tpu.memory_space<vmem>>) target_semaphore(%arg14 : memref<!tpu.dma_semaphore, #tpu.memory_space<semaphore_mem>>)
    %dma_wait3A = tpu.memref_slice %arg2[%mul3A_2] : memref<32768xf32, #tpu.memory_space<hbm>> -> memref<2048xf32, #tpu.memory_space<hbm>>
    %dma_wait3A_8 = tpu.memref_slice %arg2[%mul3A_2] : memref<32768xf32, #tpu.memory_space<hbm>> -> memref<2048xf32, #tpu.memory_space<hbm>>
    tpu.wait_dma2 semaphore(%arg12 : memref<!tpu.dma_semaphore, #tpu.memory_space<semaphore_mem>>) src(%dma_wait3A_8 : memref<2048xf32, #tpu.memory_space<hbm>>) dst(%arg6 : memref<2048xf32, #tpu.memory_space<vmem>>)
    %dma_wait3A_9 = tpu.memref_slice %arg3[%mul3A_0] : memref<16384xi32, #tpu.memory_space<hbm>> -> memref<1024xi32, #tpu.memory_space<hbm>>
    %dma_wait3A_10 = tpu.memref_slice %arg3[%mul3A_0] : memref<16384xi32, #tpu.memory_space<hbm>> -> memref<1024xi32, #tpu.memory_space<hbm>>
    tpu.wait_dma2 semaphore(%arg13 : memref<!tpu.dma_semaphore, #tpu.memory_space<semaphore_mem>>) src(%dma_wait3A_10 : memref<1024xi32, #tpu.memory_space<hbm>>) dst(%arg7 : memref<1024xi32, #tpu.memory_space<vmem>>)
    %dma_wait3A_11 = tpu.memref_slice %arg4[%mul3A_0] : memref<16384xi32, #tpu.memory_space<hbm>> -> memref<1024xi32, #tpu.memory_space<hbm>>
    %dma_wait3A_12 = tpu.memref_slice %arg4[%mul3A_0] : memref<16384xi32, #tpu.memory_space<hbm>> -> memref<1024xi32, #tpu.memory_space<hbm>>
    tpu.wait_dma2 semaphore(%arg14 : memref<!tpu.dma_semaphore, #tpu.memory_space<semaphore_mem>>) src(%dma_wait3A_12 : memref<1024xi32, #tpu.memory_space<hbm>>) dst(%arg8 : memref<1024xi32, #tpu.memory_space<vmem>>)
    %broadcast_in_dim3A = arith.constant 0.000000e+00 : f32
    %broadcast_in_dim3A_13 = vector.broadcast %broadcast_in_dim3A : f32 to vector<16xf32>
    %iota3A = tpu.iota {dimensions = array<i32: 0>} : vector<16xi32>
    %mul3A_14 = arith.constant 2 : i32
    %mul3A_15 = vector.broadcast %mul3A_14 : i32 to vector<16xi32>
    %mul3A_16 = arith.muli %mul3A_15, %iota3A : vector<16xi32>
    %add3A = arith.constant 1 : i32
    %add3A_17 = vector.broadcast %add3A : i32 to vector<16xi32>
    %add3A_18 = arith.addi %mul3A_16, %add3A_17 : vector<16xi32>
    %jit3A = arith.constant 16 : i32
    %eq3A = arith.constant 0 : i32
    %eq3A_19 = arith.cmpi eq, %jit3A, %eq3A : i32
    %jit3A_20 = arith.constant 1 : i32
    %select_n3A = arith.select %eq3A_19, %jit3A_20, %jit3A : i32
    %rem3A = vector.broadcast %select_n3A : i32 to vector<16xi32>
    %rem3A_21 = arith.remsi %add3A_18, %rem3A : vector<16xi32>
    %ne3A = arith.constant 0 : i32
    %ne3A_22 = vector.broadcast %ne3A : i32 to vector<16xi32>
    %ne3A_23 = arith.cmpi ne, %rem3A_21, %ne3A_22 : vector<16xi32>
    %lt3A = arith.constant 0 : i32
    %lt3A_24 = vector.broadcast %lt3A : i32 to vector<16xi32>
    %lt3A_25 = arith.cmpi slt, %rem3A_21, %lt3A_24 : vector<16xi32>
    %lt3A_26 = arith.constant 0 : i32
    %lt3A_27 = arith.cmpi slt, %select_n3A, %lt3A_26 : i32
    %ne3A_28 = vector.broadcast %lt3A_27 : i1 to vector<16xi1>
    %ne3A_29 = vector.broadcast %ne3A_28 : vector<16xi1> to vector<16xi1>
    %ne3A_30 = arith.xori %lt3A_25, %ne3A_29 : vector<16xi1>
    %and3A = arith.andi %ne3A_30, %ne3A_23 : vector<16xi1>
    %add3A_31 = vector.broadcast %select_n3A : i32 to vector<16xi32>
    %add3A_32 = arith.addi %rem3A_21, %add3A_31 : vector<16xi32>
    %select_n3A_33 = arith.select %and3A, %add3A_32, %rem3A_21 : vector<16xi1>, vector<16xi32>
    %lt3A_34 = arith.constant 8 : i32
    %lt3A_35 = vector.broadcast %lt3A_34 : i32 to vector<16xi32>
    %lt3A_36 = arith.cmpi slt, %iota3A, %lt3A_35 : vector<16xi32>
    %parallel_loop3A = arith.constant 0 : i32
    %parallel_loop3A_37 = arith.constant 32 : i32
    %parallel_loop3A_38 = arith.constant 1 : i32
    %parallel_loop3A_39:4 = scf.for %parallel_loop3A_280 = %parallel_loop3A to %parallel_loop3A_37 step %parallel_loop3A_38 iter_args(%parallel_loop3A_281 = %broadcast_in_dim3A_13, %parallel_loop3A_282 = %broadcast_in_dim3A_13, %parallel_loop3A_283 = %broadcast_in_dim3A_13, %parallel_loop3A_284 = %broadcast_in_dim3A_13) -> (vector<16xf32>, vector<16xf32>, vector<16xf32>, vector<16xf32>)  : i32 {
      %parallel_loop3A_285 = arith.constant 32 : i32
      %parallel_loop3A_286 = arith.muli %parallel_loop3A_280, %parallel_loop3A_285 : i32
      %parallel_loop3A_287 = arith.constant 0 : i32
      %parallel_loop3A_288 = arith.addi %parallel_loop3A_286, %parallel_loop3A_287 : i32
      %parallel_loop3A_289 = arith.index_cast %parallel_loop3A_288 : i32 to index
      %parallel_loop3A_290 = tpu.vector_load %arg7[%parallel_loop3A_289] {strides = array<i32>} : memref<1024xi32, #tpu.memory_space<vmem>>, vector<16xi32>,
      %parallel_loop3A_291 = vector.shape_cast %parallel_loop3A_290 : vector<16xi32> to vector<16xi32>
      %parallel_loop3A_292 = arith.index_cast %parallel_loop3A_288 : i32 to index
      %parallel_loop3A_293 = tpu.vector_load %arg8[%parallel_loop3A_292] {strides = array<i32>} : memref<1024xi32, #tpu.memory_space<vmem>>, vector<16xi32>,
      %parallel_loop3A_294 = vector.shape_cast %parallel_loop3A_293 : vector<16xi32> to vector<16xi32>
      %parallel_loop3A_295 = arith.constant 2 : i32
      %parallel_loop3A_296 = arith.muli %parallel_loop3A_295, %parallel_loop3A_288 : i32
      %parallel_loop3A_297 = arith.index_cast %parallel_loop3A_296 : i32 to index
      %parallel_loop3A_298 = tpu.vector_load %arg6[%parallel_loop3A_297] {strides = array<i32>} : memref<2048xf32, #tpu.memory_space<vmem>>, vector<16xf32>,
      %parallel_loop3A_299 = vector.shape_cast %parallel_loop3A_298 : vector<16xf32> to vector<16xf32>
      %parallel_loop3A_300 = arith.constant 2 : i32
      %parallel_loop3A_301 = arith.muli %parallel_loop3A_300, %parallel_loop3A_288 : i32
      %parallel_loop3A_302 = arith.constant 16 : i32
      %parallel_loop3A_303 = arith.addi %parallel_loop3A_301, %parallel_loop3A_302 : i32
      %parallel_loop3A_304 = arith.index_cast %parallel_loop3A_303 : i32 to index
      %parallel_loop3A_305 = tpu.vector_load %arg6[%parallel_loop3A_304] {strides = array<i32>} : memref<2048xf32, #tpu.memory_space<vmem>>, vector<16xf32>,
      %parallel_loop3A_306 = vector.shape_cast %parallel_loop3A_305 : vector<16xf32> to vector<16xf32>
      %parallel_loop3A_307 = arith.constant 0 : i32
      %parallel_loop3A_308 = vector.broadcast %parallel_loop3A_307 : i32 to vector<16xi32>
      %parallel_loop3A_309 = arith.cmpi slt, %select_n3A_33, %parallel_loop3A_308 : vector<16xi32>
      %parallel_loop3A_310 = arith.constant 16 : i32
      %parallel_loop3A_311 = vector.broadcast %parallel_loop3A_310 : i32 to vector<16xi32>
      %parallel_loop3A_312 = arith.addi %select_n3A_33, %parallel_loop3A_311 : vector<16xi32>
      %parallel_loop3A_313 = arith.select %parallel_loop3A_309, %parallel_loop3A_312, %select_n3A_33 : vector<16xi1>, vector<16xi32>
      %parallel_loop3A_314 = vector.shape_cast %parallel_loop3A_313 : vector<16xi32> to vector<16x1xi32>
      %parallel_loop3A_315 = vector.shape_cast %parallel_loop3A_314 : vector<16x1xi32> to vector<16xi32>
      %parallel_loop3A_316 = tpu.dynamic_gather %parallel_loop3A_299[%parallel_loop3A_315] in [0] : vector<16xf32>, vector<16xi32> -> vector<16xf32>
      %parallel_loop3A_317 = arith.constant 0 : i32
      %parallel_loop3A_318 = vector.broadcast %parallel_loop3A_317 : i32 to vector<16xi32>
      %parallel_loop3A_319 = arith.cmpi slt, %select_n3A_33, %parallel_loop3A_318 : vector<16xi32>
      %parallel_loop3A_320 = arith.constant 16 : i32
      %parallel_loop3A_321 = vector.broadcast %parallel_loop3A_320 : i32 to vector<16xi32>
      %parallel_loop3A_322 = arith.addi %select_n3A_33, %parallel_loop3A_321 : vector<16xi32>
      %parallel_loop3A_323 = arith.select %parallel_loop3A_319, %parallel_loop3A_322, %select_n3A_33 : vector<16xi1>, vector<16xi32>
      %parallel_loop3A_324 = vector.shape_cast %parallel_loop3A_323 : vector<16xi32> to vector<16x1xi32>
      %parallel_loop3A_325 = vector.shape_cast %parallel_loop3A_324 : vector<16x1xi32> to vector<16xi32>
      %parallel_loop3A_326 = tpu.dynamic_gather %parallel_loop3A_306[%parallel_loop3A_325] in [0] : vector<16xf32>, vector<16xi32> -> vector<16xf32>
      %parallel_loop3A_327 = arith.select %lt3A_36, %parallel_loop3A_316, %parallel_loop3A_326 : vector<16xi1>, vector<16xf32>
      %parallel_loop3A_328 = arith.muli %parallel_loop3A_294, %parallel_loop3A_291 : vector<16xi32>
      %parallel_loop3A_329 = arith.sitofp %parallel_loop3A_328 : vector<16xi32> to vector<16xf32>
      %parallel_loop3A_330 = arith.subi %parallel_loop3A_294, %parallel_loop3A_328 : vector<16xi32>
      %parallel_loop3A_331 = arith.sitofp %parallel_loop3A_330 : vector<16xi32> to vector<16xf32>
      %parallel_loop3A_332 = arith.mulf %parallel_loop3A_327, %parallel_loop3A_331 : vector<16xf32>
      %parallel_loop3A_333 = arith.addf %parallel_loop3A_281, %parallel_loop3A_332 : vector<16xf32>
      %parallel_loop3A_334 = arith.addf %parallel_loop3A_282, %parallel_loop3A_331 : vector<16xf32>
      %parallel_loop3A_335 = arith.mulf %parallel_loop3A_327, %parallel_loop3A_329 : vector<16xf32>
      %parallel_loop3A_336 = arith.addf %parallel_loop3A_283, %parallel_loop3A_335 : vector<16xf32>
      %parallel_loop3A_337 = arith.addf %parallel_loop3A_284, %parallel_loop3A_329 : vector<16xf32>
      %parallel_loop3A_338 = arith.constant 32 : i32
      %parallel_loop3A_339 = arith.muli %parallel_loop3A_280, %parallel_loop3A_338 : i32
      %parallel_loop3A_340 = arith.constant 16 : i32
      %parallel_loop3A_341 = arith.addi %parallel_loop3A_339, %parallel_loop3A_340 : i32
      %parallel_loop3A_342 = arith.index_cast %parallel_loop3A_341 : i32 to index
      %parallel_loop3A_343 = tpu.vector_load %arg7[%parallel_loop3A_342] {strides = array<i32>} : memref<1024xi32, #tpu.memory_space<vmem>>, vector<16xi32>,
      %parallel_loop3A_344 = vector.shape_cast %parallel_loop3A_343 : vector<16xi32> to vector<16xi32>
      %parallel_loop3A_345 = arith.index_cast %parallel_loop3A_341 : i32 to index
      %parallel_loop3A_346 = tpu.vector_load %arg8[%parallel_loop3A_345] {strides = array<i32>} : memref<1024xi32, #tpu.memory_space<vmem>>, vector<16xi32>,
      %parallel_loop3A_347 = vector.shape_cast %parallel_loop3A_346 : vector<16xi32> to vector<16xi32>
      %parallel_loop3A_348 = arith.constant 2 : i32
      %parallel_loop3A_349 = arith.muli %parallel_loop3A_348, %parallel_loop3A_341 : i32
      %parallel_loop3A_350 = arith.index_cast %parallel_loop3A_349 : i32 to index
      %parallel_loop3A_351 = tpu.vector_load %arg6[%parallel_loop3A_350] {strides = array<i32>} : memref<2048xf32, #tpu.memory_space<vmem>>, vector<16xf32>,
      %parallel_loop3A_352 = vector.shape_cast %parallel_loop3A_351 : vector<16xf32> to vector<16xf32>
      %parallel_loop3A_353 = arith.constant 2 : i32
      %parallel_loop3A_354 = arith.muli %parallel_loop3A_353, %parallel_loop3A_341 : i32
      %parallel_loop3A_355 = arith.constant 16 : i32
      %parallel_loop3A_356 = arith.addi %parallel_loop3A_354, %parallel_loop3A_355 : i32
      %parallel_loop3A_357 = arith.index_cast %parallel_loop3A_356 : i32 to index
      %parallel_loop3A_358 = tpu.vector_load %arg6[%parallel_loop3A_357] {strides = array<i32>} : memref<2048xf32, #tpu.memory_space<vmem>>, vector<16xf32>,
      %parallel_loop3A_359 = vector.shape_cast %parallel_loop3A_358 : vector<16xf32> to vector<16xf32>
      %parallel_loop3A_360 = arith.constant 0 : i32
      %parallel_loop3A_361 = vector.broadcast %parallel_loop3A_360 : i32 to vector<16xi32>
      %parallel_loop3A_362 = arith.cmpi slt, %select_n3A_33, %parallel_loop3A_361 : vector<16xi32>
      %parallel_loop3A_363 = arith.constant 16 : i32
      %parallel_loop3A_364 = vector.broadcast %parallel_loop3A_363 : i32 to vector<16xi32>
      %parallel_loop3A_365 = arith.addi %select_n3A_33, %parallel_loop3A_364 : vector<16xi32>
      %parallel_loop3A_366 = arith.select %parallel_loop3A_362, %parallel_loop3A_365, %select_n3A_33 : vector<16xi1>, vector<16xi32>
      %parallel_loop3A_367 = vector.shape_cast %parallel_loop3A_366 : vector<16xi32> to vector<16x1xi32>
      %parallel_loop3A_368 = vector.shape_cast %parallel_loop3A_367 : vector<16x1xi32> to vector<16xi32>
      %parallel_loop3A_369 = tpu.dynamic_gather %parallel_loop3A_352[%parallel_loop3A_368] in [0] : vector<16xf32>, vector<16xi32> -> vector<16xf32>
      %parallel_loop3A_370 = arith.constant 0 : i32
      %parallel_loop3A_371 = vector.broadcast %parallel_loop3A_370 : i32 to vector<16xi32>
      %parallel_loop3A_372 = arith.cmpi slt, %select_n3A_33, %parallel_loop3A_371 : vector<16xi32>
      %parallel_loop3A_373 = arith.constant 16 : i32
      %parallel_loop3A_374 = vector.broadcast %parallel_loop3A_373 : i32 to vector<16xi32>
      %parallel_loop3A_375 = arith.addi %select_n3A_33, %parallel_loop3A_374 : vector<16xi32>
      %parallel_loop3A_376 = arith.select %parallel_loop3A_372, %parallel_loop3A_375, %select_n3A_33 : vector<16xi1>, vector<16xi32>
      %parallel_loop3A_377 = vector.shape_cast %parallel_loop3A_376 : vector<16xi32> to vector<16x1xi32>
      %parallel_loop3A_378 = vector.shape_cast %parallel_loop3A_377 : vector<16x1xi32> to vector<16xi32>
      %parallel_loop3A_379 = tpu.dynamic_gather %parallel_loop3A_359[%parallel_loop3A_378] in [0] : vector<16xf32>, vector<16xi32> -> vector<16xf32>
      %parallel_loop3A_380 = arith.select %lt3A_36, %parallel_loop3A_369, %parallel_loop3A_379 : vector<16xi1>, vector<16xf32>
      %parallel_loop3A_381 = arith.muli %parallel_loop3A_347, %parallel_loop3A_344 : vector<16xi32>
      %parallel_loop3A_382 = arith.sitofp %parallel_loop3A_381 : vector<16xi32> to vector<16xf32>
      %parallel_loop3A_383 = arith.subi %parallel_loop3A_347, %parallel_loop3A_381 : vector<16xi32>
      %parallel_loop3A_384 = arith.sitofp %parallel_loop3A_383 : vector<16xi32> to vector<16xf32>
      %parallel_loop3A_385 = arith.mulf %parallel_loop3A_380, %parallel_loop3A_384 : vector<16xf32>
      %parallel_loop3A_386 = arith.addf %parallel_loop3A_333, %parallel_loop3A_385 : vector<16xf32>
      %parallel_loop3A_387 = arith.addf %parallel_loop3A_334, %parallel_loop3A_384 : vector<16xf32>
      %parallel_loop3A_388 = arith.mulf %parallel_loop3A_380, %parallel_loop3A_382 : vector<16xf32>
      %parallel_loop3A_389 = arith.addf %parallel_loop3A_336, %parallel_loop3A_388 : vector<16xf32>
      %parallel_loop3A_390 = arith.addf %parallel_loop3A_337, %parallel_loop3A_382 : vector<16xf32>
      scf.yield %parallel_loop3A_386, %parallel_loop3A_387, %parallel_loop3A_389, %parallel_loop3A_390 : vector<16xf32>, vector<16xf32>, vector<16xf32>, vector<16xf32>
    } {sc.loop_unroll_factor = 4 : i64, sc.parallel_access}
    %eq3A_40 = arith.constant 0 : i32
    %eq3A_41 = vector.broadcast %eq3A_40 : i32 to vector<16xi32>
    %eq3A_42 = arith.cmpi eq, %iota3A, %eq3A_41 : vector<16xi32>
    %xor3A = arith.constant 8 : i32
    %xor3A_43 = vector.broadcast %xor3A : i32 to vector<16xi32>
    %xor3A_44 = arith.xori %iota3A, %xor3A_43 : vector<16xi32>
    %lt3A_45 = arith.constant 0 : i32
    %lt3A_46 = vector.broadcast %lt3A_45 : i32 to vector<16xi32>
    %lt3A_47 = arith.cmpi slt, %xor3A_44, %lt3A_46 : vector<16xi32>
    %add3A_48 = arith.constant 16 : i32
    %add3A_49 = vector.broadcast %add3A_48 : i32 to vector<16xi32>
    %add3A_50 = arith.addi %xor3A_44, %add3A_49 : vector<16xi32>
    %select_n3A_51 = arith.select %lt3A_47, %add3A_50, %xor3A_44 : vector<16xi1>, vector<16xi32>
    %broadcast_in_dim3A_52 = vector.shape_cast %select_n3A_51 : vector<16xi32> to vector<16x1xi32>
    %gather3A = vector.shape_cast %broadcast_in_dim3A_52 : vector<16x1xi32> to vector<16xi32>
    %gather3A_53 = tpu.dynamic_gather %parallel_loop3A_39#0[%gather3A] in [0] : vector<16xf32>, vector<16xi32> -> vector<16xf32>
    %add3A_54 = arith.addf %parallel_loop3A_39#0, %gather3A_53 : vector<16xf32>
    %xor3A_55 = arith.constant 4 : i32
    %xor3A_56 = vector.broadcast %xor3A_55 : i32 to vector<16xi32>
    %xor3A_57 = arith.xori %iota3A, %xor3A_56 : vector<16xi32>
    %lt3A_58 = arith.constant 0 : i32
    %lt3A_59 = vector.broadcast %lt3A_58 : i32 to vector<16xi32>
    %lt3A_60 = arith.cmpi slt, %xor3A_57, %lt3A_59 : vector<16xi32>
    %add3A_61 = arith.constant 16 : i32
    %add3A_62 = vector.broadcast %add3A_61 : i32 to vector<16xi32>
    %add3A_63 = arith.addi %xor3A_57, %add3A_62 : vector<16xi32>
    %select_n3A_64 = arith.select %lt3A_60, %add3A_63, %xor3A_57 : vector<16xi1>, vector<16xi32>
    %broadcast_in_dim3A_65 = vector.shape_cast %select_n3A_64 : vector<16xi32> to vector<16x1xi32>
    %gather3A_66 = vector.shape_cast %broadcast_in_dim3A_65 : vector<16x1xi32> to vector<16xi32>
    %gather3A_67 = tpu.dynamic_gather %add3A_54[%gather3A_66] in [0] : vector<16xf32>, vector<16xi32> -> vector<16xf32>
    %add3A_68 = arith.addf %add3A_54, %gather3A_67 : vector<16xf32>
    %xor3A_69 = arith.constant 2 : i32
    %xor3A_70 = vector.broadcast %xor3A_69 : i32 to vector<16xi32>
    %xor3A_71 = arith.xori %iota3A, %xor3A_70 : vector<16xi32>
    %lt3A_72 = arith.constant 0 : i32
    %lt3A_73 = vector.broadcast %lt3A_72 : i32 to vector<16xi32>
    %lt3A_74 = arith.cmpi slt, %xor3A_71, %lt3A_73 : vector<16xi32>
    %add3A_75 = arith.constant 16 : i32
    %add3A_76 = vector.broadcast %add3A_75 : i32 to vector<16xi32>
    %add3A_77 = arith.addi %xor3A_71, %add3A_76 : vector<16xi32>
    %select_n3A_78 = arith.select %lt3A_74, %add3A_77, %xor3A_71 : vector<16xi1>, vector<16xi32>
    %broadcast_in_dim3A_79 = vector.shape_cast %select_n3A_78 : vector<16xi32> to vector<16x1xi32>
    %gather3A_80 = vector.shape_cast %broadcast_in_dim3A_79 : vector<16x1xi32> to vector<16xi32>
    %gather3A_81 = tpu.dynamic_gather %add3A_68[%gather3A_80] in [0] : vector<16xf32>, vector<16xi32> -> vector<16xf32>
    %add3A_82 = arith.addf %add3A_68, %gather3A_81 : vector<16xf32>
    %xor3A_83 = arith.constant 1 : i32
    %xor3A_84 = vector.broadcast %xor3A_83 : i32 to vector<16xi32>
    %xor3A_85 = arith.xori %iota3A, %xor3A_84 : vector<16xi32>
    %lt3A_86 = arith.constant 0 : i32
    %lt3A_87 = vector.broadcast %lt3A_86 : i32 to vector<16xi32>
    %lt3A_88 = arith.cmpi slt, %xor3A_85, %lt3A_87 : vector<16xi32>
    %add3A_89 = arith.constant 16 : i32
    %add3A_90 = vector.broadcast %add3A_89 : i32 to vector<16xi32>
    %add3A_91 = arith.addi %xor3A_85, %add3A_90 : vector<16xi32>
    %select_n3A_92 = arith.select %lt3A_88, %add3A_91, %xor3A_85 : vector<16xi1>, vector<16xi32>
    %broadcast_in_dim3A_93 = vector.shape_cast %select_n3A_92 : vector<16xi32> to vector<16x1xi32>
    %gather3A_94 = vector.shape_cast %broadcast_in_dim3A_93 : vector<16x1xi32> to vector<16xi32>
    %gather3A_95 = tpu.dynamic_gather %add3A_82[%gather3A_94] in [0] : vector<16xf32>, vector<16xi32> -> vector<16xf32>
    %add3A_96 = arith.addf %add3A_82, %gather3A_95 : vector<16xf32>
    %eq3A_97 = arith.constant 1 : i32
    %eq3A_98 = vector.broadcast %eq3A_97 : i32 to vector<16xi32>
    %eq3A_99 = arith.cmpi eq, %iota3A, %eq3A_98 : vector<16xi32>
    %xor3A_100 = arith.constant 8 : i32
    %xor3A_101 = vector.broadcast %xor3A_100 : i32 to vector<16xi32>
    %xor3A_102 = arith.xori %iota3A, %xor3A_101 : vector<16xi32>
    %lt3A_103 = arith.constant 0 : i32
    %lt3A_104 = vector.broadcast %lt3A_103 : i32 to vector<16xi32>
    %lt3A_105 = arith.cmpi slt, %xor3A_102, %lt3A_104 : vector<16xi32>
    %add3A_106 = arith.constant 16 : i32
    %add3A_107 = vector.broadcast %add3A_106 : i32 to vector<16xi32>
    %add3A_108 = arith.addi %xor3A_102, %add3A_107 : vector<16xi32>
    %select_n3A_109 = arith.select %lt3A_105, %add3A_108, %xor3A_102 : vector<16xi1>, vector<16xi32>
    %broadcast_in_dim3A_110 = vector.shape_cast %select_n3A_109 : vector<16xi32> to vector<16x1xi32>
    %gather3A_111 = vector.shape_cast %broadcast_in_dim3A_110 : vector<16x1xi32> to vector<16xi32>
    %gather3A_112 = tpu.dynamic_gather %parallel_loop3A_39#1[%gather3A_111] in [0] : vector<16xf32>, vector<16xi32> -> vector<16xf32>
    %add3A_113 = arith.addf %parallel_loop3A_39#1, %gather3A_112 : vector<16xf32>
    %xor3A_114 = arith.constant 4 : i32
    %xor3A_115 = vector.broadcast %xor3A_114 : i32 to vector<16xi32>
    %xor3A_116 = arith.xori %iota3A, %xor3A_115 : vector<16xi32>
    %lt3A_117 = arith.constant 0 : i32
    %lt3A_118 = vector.broadcast %lt3A_117 : i32 to vector<16xi32>
    %lt3A_119 = arith.cmpi slt, %xor3A_116, %lt3A_118 : vector<16xi32>
    %add3A_120 = arith.constant 16 : i32
    %add3A_121 = vector.broadcast %add3A_120 : i32 to vector<16xi32>
    %add3A_122 = arith.addi %xor3A_116, %add3A_121 : vector<16xi32>
    %select_n3A_123 = arith.select %lt3A_119, %add3A_122, %xor3A_116 : vector<16xi1>, vector<16xi32>
    %broadcast_in_dim3A_124 = vector.shape_cast %select_n3A_123 : vector<16xi32> to vector<16x1xi32>
    %gather3A_125 = vector.shape_cast %broadcast_in_dim3A_124 : vector<16x1xi32> to vector<16xi32>
    %gather3A_126 = tpu.dynamic_gather %add3A_113[%gather3A_125] in [0] : vector<16xf32>, vector<16xi32> -> vector<16xf32>
    %add3A_127 = arith.addf %add3A_113, %gather3A_126 : vector<16xf32>
    %xor3A_128 = arith.constant 2 : i32
    %xor3A_129 = vector.broadcast %xor3A_128 : i32 to vector<16xi32>
    %xor3A_130 = arith.xori %iota3A, %xor3A_129 : vector<16xi32>
    %lt3A_131 = arith.constant 0 : i32
    %lt3A_132 = vector.broadcast %lt3A_131 : i32 to vector<16xi32>
    %lt3A_133 = arith.cmpi slt, %xor3A_130, %lt3A_132 : vector<16xi32>
    %add3A_134 = arith.constant 16 : i32
    %add3A_135 = vector.broadcast %add3A_134 : i32 to vector<16xi32>
    %add3A_136 = arith.addi %xor3A_130, %add3A_135 : vector<16xi32>
    %select_n3A_137 = arith.select %lt3A_133, %add3A_136, %xor3A_130 : vector<16xi1>, vector<16xi32>
    %broadcast_in_dim3A_138 = vector.shape_cast %select_n3A_137 : vector<16xi32> to vector<16x1xi32>
    %gather3A_139 = vector.shape_cast %broadcast_in_dim3A_138 : vector<16x1xi32> to vector<16xi32>
    %gather3A_140 = tpu.dynamic_gather %add3A_127[%gather3A_139] in [0] : vector<16xf32>, vector<16xi32> -> vector<16xf32>
    %add3A_141 = arith.addf %add3A_127, %gather3A_140 : vector<16xf32>
    %xor3A_142 = arith.constant 1 : i32
    %xor3A_143 = vector.broadcast %xor3A_142 : i32 to vector<16xi32>
    %xor3A_144 = arith.xori %iota3A, %xor3A_143 : vector<16xi32>
    %lt3A_145 = arith.constant 0 : i32
    %lt3A_146 = vector.broadcast %lt3A_145 : i32 to vector<16xi32>
    %lt3A_147 = arith.cmpi slt, %xor3A_144, %lt3A_146 : vector<16xi32>
    %add3A_148 = arith.constant 16 : i32
    %add3A_149 = vector.broadcast %add3A_148 : i32 to vector<16xi32>
    %add3A_150 = arith.addi %xor3A_144, %add3A_149 : vector<16xi32>
    %select_n3A_151 = arith.select %lt3A_147, %add3A_150, %xor3A_144 : vector<16xi1>, vector<16xi32>
    %broadcast_in_dim3A_152 = vector.shape_cast %select_n3A_151 : vector<16xi32> to vector<16x1xi32>
    %gather3A_153 = vector.shape_cast %broadcast_in_dim3A_152 : vector<16x1xi32> to vector<16xi32>
    %gather3A_154 = tpu.dynamic_gather %add3A_141[%gather3A_153] in [0] : vector<16xf32>, vector<16xi32> -> vector<16xf32>
    %add3A_155 = arith.addf %add3A_141, %gather3A_154 : vector<16xf32>
    %eq3A_156 = arith.constant 2 : i32
    %eq3A_157 = vector.broadcast %eq3A_156 : i32 to vector<16xi32>
    %eq3A_158 = arith.cmpi eq, %iota3A, %eq3A_157 : vector<16xi32>
    %xor3A_159 = arith.constant 8 : i32
    %xor3A_160 = vector.broadcast %xor3A_159 : i32 to vector<16xi32>
    %xor3A_161 = arith.xori %iota3A, %xor3A_160 : vector<16xi32>
    %lt3A_162 = arith.constant 0 : i32
    %lt3A_163 = vector.broadcast %lt3A_162 : i32 to vector<16xi32>
    %lt3A_164 = arith.cmpi slt, %xor3A_161, %lt3A_163 : vector<16xi32>
    %add3A_165 = arith.constant 16 : i32
    %add3A_166 = vector.broadcast %add3A_165 : i32 to vector<16xi32>
    %add3A_167 = arith.addi %xor3A_161, %add3A_166 : vector<16xi32>
    %select_n3A_168 = arith.select %lt3A_164, %add3A_167, %xor3A_161 : vector<16xi1>, vector<16xi32>
    %broadcast_in_dim3A_169 = vector.shape_cast %select_n3A_168 : vector<16xi32> to vector<16x1xi32>
    %gather3A_170 = vector.shape_cast %broadcast_in_dim3A_169 : vector<16x1xi32> to vector<16xi32>
    %gather3A_171 = tpu.dynamic_gather %parallel_loop3A_39#2[%gather3A_170] in [0] : vector<16xf32>, vector<16xi32> -> vector<16xf32>
    %add3A_172 = arith.addf %parallel_loop3A_39#2, %gather3A_171 : vector<16xf32>
    %xor3A_173 = arith.constant 4 : i32
    %xor3A_174 = vector.broadcast %xor3A_173 : i32 to vector<16xi32>
    %xor3A_175 = arith.xori %iota3A, %xor3A_174 : vector<16xi32>
    %lt3A_176 = arith.constant 0 : i32
    %lt3A_177 = vector.broadcast %lt3A_176 : i32 to vector<16xi32>
    %lt3A_178 = arith.cmpi slt, %xor3A_175, %lt3A_177 : vector<16xi32>
    %add3A_179 = arith.constant 16 : i32
    %add3A_180 = vector.broadcast %add3A_179 : i32 to vector<16xi32>
    %add3A_181 = arith.addi %xor3A_175, %add3A_180 : vector<16xi32>
    %select_n3A_182 = arith.select %lt3A_178, %add3A_181, %xor3A_175 : vector<16xi1>, vector<16xi32>
    %broadcast_in_dim3A_183 = vector.shape_cast %select_n3A_182 : vector<16xi32> to vector<16x1xi32>
    %gather3A_184 = vector.shape_cast %broadcast_in_dim3A_183 : vector<16x1xi32> to vector<16xi32>
    %gather3A_185 = tpu.dynamic_gather %add3A_172[%gather3A_184] in [0] : vector<16xf32>, vector<16xi32> -> vector<16xf32>
    %add3A_186 = arith.addf %add3A_172, %gather3A_185 : vector<16xf32>
    %xor3A_187 = arith.constant 2 : i32
    %xor3A_188 = vector.broadcast %xor3A_187 : i32 to vector<16xi32>
    %xor3A_189 = arith.xori %iota3A, %xor3A_188 : vector<16xi32>
    %lt3A_190 = arith.constant 0 : i32
    %lt3A_191 = vector.broadcast %lt3A_190 : i32 to vector<16xi32>
    %lt3A_192 = arith.cmpi slt, %xor3A_189, %lt3A_191 : vector<16xi32>
    %add3A_193 = arith.constant 16 : i32
    %add3A_194 = vector.broadcast %add3A_193 : i32 to vector<16xi32>
    %add3A_195 = arith.addi %xor3A_189, %add3A_194 : vector<16xi32>
    %select_n3A_196 = arith.select %lt3A_192, %add3A_195, %xor3A_189 : vector<16xi1>, vector<16xi32>
    %broadcast_in_dim3A_197 = vector.shape_cast %select_n3A_196 : vector<16xi32> to vector<16x1xi32>
    %gather3A_198 = vector.shape_cast %broadcast_in_dim3A_197 : vector<16x1xi32> to vector<16xi32>
    %gather3A_199 = tpu.dynamic_gather %add3A_186[%gather3A_198] in [0] : vector<16xf32>, vector<16xi32> -> vector<16xf32>
    %add3A_200 = arith.addf %add3A_186, %gather3A_199 : vector<16xf32>
    %xor3A_201 = arith.constant 1 : i32
    %xor3A_202 = vector.broadcast %xor3A_201 : i32 to vector<16xi32>
    %xor3A_203 = arith.xori %iota3A, %xor3A_202 : vector<16xi32>
    %lt3A_204 = arith.constant 0 : i32
    %lt3A_205 = vector.broadcast %lt3A_204 : i32 to vector<16xi32>
    %lt3A_206 = arith.cmpi slt, %xor3A_203, %lt3A_205 : vector<16xi32>
    %add3A_207 = arith.constant 16 : i32
    %add3A_208 = vector.broadcast %add3A_207 : i32 to vector<16xi32>
    %add3A_209 = arith.addi %xor3A_203, %add3A_208 : vector<16xi32>
    %select_n3A_210 = arith.select %lt3A_206, %add3A_209, %xor3A_203 : vector<16xi1>, vector<16xi32>
    %broadcast_in_dim3A_211 = vector.shape_cast %select_n3A_210 : vector<16xi32> to vector<16x1xi32>
    %gather3A_212 = vector.shape_cast %broadcast_in_dim3A_211 : vector<16x1xi32> to vector<16xi32>
    %gather3A_213 = tpu.dynamic_gather %add3A_200[%gather3A_212] in [0] : vector<16xf32>, vector<16xi32> -> vector<16xf32>
    %add3A_214 = arith.addf %add3A_200, %gather3A_213 : vector<16xf32>
    %xor3A_215 = arith.constant 8 : i32
    %xor3A_216 = vector.broadcast %xor3A_215 : i32 to vector<16xi32>
    %xor3A_217 = arith.xori %iota3A, %xor3A_216 : vector<16xi32>
    %lt3A_218 = arith.constant 0 : i32
    %lt3A_219 = vector.broadcast %lt3A_218 : i32 to vector<16xi32>
    %lt3A_220 = arith.cmpi slt, %xor3A_217, %lt3A_219 : vector<16xi32>
    %add3A_221 = arith.constant 16 : i32
    %add3A_222 = vector.broadcast %add3A_221 : i32 to vector<16xi32>
    %add3A_223 = arith.addi %xor3A_217, %add3A_222 : vector<16xi32>
    %select_n3A_224 = arith.select %lt3A_220, %add3A_223, %xor3A_217 : vector<16xi1>, vector<16xi32>
    %broadcast_in_dim3A_225 = vector.shape_cast %select_n3A_224 : vector<16xi32> to vector<16x1xi32>
    %gather3A_226 = vector.shape_cast %broadcast_in_dim3A_225 : vector<16x1xi32> to vector<16xi32>
    %gather3A_227 = tpu.dynamic_gather %parallel_loop3A_39#3[%gather3A_226] in [0] : vector<16xf32>, vector<16xi32> -> vector<16xf32>
    %add3A_228 = arith.addf %parallel_loop3A_39#3, %gather3A_227 : vector<16xf32>
    %xor3A_229 = arith.constant 4 : i32
    %xor3A_230 = vector.broadcast %xor3A_229 : i32 to vector<16xi32>
    %xor3A_231 = arith.xori %iota3A, %xor3A_230 : vector<16xi32>
    %lt3A_232 = arith.constant 0 : i32
    %lt3A_233 = vector.broadcast %lt3A_232 : i32 to vector<16xi32>
    %lt3A_234 = arith.cmpi slt, %xor3A_231, %lt3A_233 : vector<16xi32>
    %add3A_235 = arith.constant 16 : i32
    %add3A_236 = vector.broadcast %add3A_235 : i32 to vector<16xi32>
    %add3A_237 = arith.addi %xor3A_231, %add3A_236 : vector<16xi32>
    %select_n3A_238 = arith.select %lt3A_234, %add3A_237, %xor3A_231 : vector<16xi1>, vector<16xi32>
    %broadcast_in_dim3A_239 = vector.shape_cast %select_n3A_238 : vector<16xi32> to vector<16x1xi32>
    %gather3A_240 = vector.shape_cast %broadcast_in_dim3A_239 : vector<16x1xi32> to vector<16xi32>
    %gather3A_241 = tpu.dynamic_gather %add3A_228[%gather3A_240] in [0] : vector<16xf32>, vector<16xi32> -> vector<16xf32>
    %add3A_242 = arith.addf %add3A_228, %gather3A_241 : vector<16xf32>
    %xor3A_243 = arith.constant 2 : i32
    %xor3A_244 = vector.broadcast %xor3A_243 : i32 to vector<16xi32>
    %xor3A_245 = arith.xori %iota3A, %xor3A_244 : vector<16xi32>
    %lt3A_246 = arith.constant 0 : i32
    %lt3A_247 = vector.broadcast %lt3A_246 : i32 to vector<16xi32>
    %lt3A_248 = arith.cmpi slt, %xor3A_245, %lt3A_247 : vector<16xi32>
    %add3A_249 = arith.constant 16 : i32
    %add3A_250 = vector.broadcast %add3A_249 : i32 to vector<16xi32>
    %add3A_251 = arith.addi %xor3A_245, %add3A_250 : vector<16xi32>
    %select_n3A_252 = arith.select %lt3A_248, %add3A_251, %xor3A_245 : vector<16xi1>, vector<16xi32>
    %broadcast_in_dim3A_253 = vector.shape_cast %select_n3A_252 : vector<16xi32> to vector<16x1xi32>
    %gather3A_254 = vector.shape_cast %broadcast_in_dim3A_253 : vector<16x1xi32> to vector<16xi32>
    %gather3A_255 = tpu.dynamic_gather %add3A_242[%gather3A_254] in [0] : vector<16xf32>, vector<16xi32> -> vector<16xf32>
    %add3A_256 = arith.addf %add3A_242, %gather3A_255 : vector<16xf32>
    %xor3A_257 = arith.constant 1 : i32
    %xor3A_258 = vector.broadcast %xor3A_257 : i32 to vector<16xi32>
    %xor3A_259 = arith.xori %iota3A, %xor3A_258 : vector<16xi32>
    %lt3A_260 = arith.constant 0 : i32
    %lt3A_261 = vector.broadcast %lt3A_260 : i32 to vector<16xi32>
    %lt3A_262 = arith.cmpi slt, %xor3A_259, %lt3A_261 : vector<16xi32>
    %add3A_263 = arith.constant 16 : i32
    %add3A_264 = vector.broadcast %add3A_263 : i32 to vector<16xi32>
    %add3A_265 = arith.addi %xor3A_259, %add3A_264 : vector<16xi32>
    %select_n3A_266 = arith.select %lt3A_262, %add3A_265, %xor3A_259 : vector<16xi1>, vector<16xi32>
    %broadcast_in_dim3A_267 = vector.shape_cast %select_n3A_266 : vector<16xi32> to vector<16x1xi32>
    %gather3A_268 = vector.shape_cast %broadcast_in_dim3A_267 : vector<16x1xi32> to vector<16xi32>
    %gather3A_269 = tpu.dynamic_gather %add3A_256[%gather3A_268] in [0] : vector<16xf32>, vector<16xi32> -> vector<16xf32>
    %add3A_270 = arith.addf %add3A_256, %gather3A_269 : vector<16xf32>
    %select_n3A_271 = arith.select %eq3A_158, %add3A_214, %add3A_270 : vector<16xi1>, vector<16xf32>
    %select_n3A_272 = arith.select %eq3A_99, %add3A_155, %select_n3A_271 : vector<16xi1>, vector<16xf32>
    %select_n3A_273 = arith.select %eq3A_42, %add3A_96, %select_n3A_272 : vector<16xi1>, vector<16xf32>
    %swap3A = arith.constant 0 : index
    %swap3A_274 = tpu.vector_load %arg9[%swap3A] {strides = array<i32>} : memref<128xf32, #tpu.memory_space<vmem>>, vector<16xf32>,
    %swap3A_275 = vector.shape_cast %swap3A_274 : vector<16xf32> to vector<16xf32>
    %swap3A_276 = vector.shape_cast %select_n3A_273 : vector<16xf32> to vector<16xf32>
    tpu.vector_store %arg9[%swap3A], %swap3A_276 {strides = array<i32>} : memref<128xf32, #tpu.memory_space<vmem>>, vector<16xf32>,
    "tpu.region"() ({
      %run_scoped3A = tpu.sem_alloc : memref<!tpu.dma_semaphore, #tpu.memory_space<semaphore_mem>>
      %dma_start3A_280 = arith.constant 0 : i32
      %dma_start3A_281 = tpu.memref_slice %arg11[%arg1, %dma_start3A_280] : memref<16x128xf32, #tpu.memory_space<vmem_shared>> -> memref<1x128xf32, #tpu.memory_space<vmem_shared>>
      %dma_start3A_282 = tpu.memref_squeeze %dma_start3A_281 : memref<1x128xf32, #tpu.memory_space<vmem_shared>> -> memref<128xf32, #tpu.memory_space<vmem_shared>>
      %dma_start3A_283 = arith.constant 0 : i32
      %dma_start3A_284 = tpu.memref_slice %arg11[%arg1, %dma_start3A_283] : memref<16x128xf32, #tpu.memory_space<vmem_shared>> -> memref<1x128xf32, #tpu.memory_space<vmem_shared>>
      %dma_start3A_285 = tpu.memref_squeeze %dma_start3A_284 : memref<1x128xf32, #tpu.memory_space<vmem_shared>> -> memref<128xf32, #tpu.memory_space<vmem_shared>>
      tpu.enqueue_dma source(%arg9 : memref<128xf32, #tpu.memory_space<vmem>>) target(%dma_start3A_285 : memref<128xf32, #tpu.memory_space<vmem_shared>>) target_semaphore(%run_scoped3A : memref<!tpu.dma_semaphore, #tpu.memory_space<semaphore_mem>>)
      %dma_wait3A_286 = arith.constant 0 : i32
      %dma_wait3A_287 = tpu.memref_slice %arg11[%arg1, %dma_wait3A_286] : memref<16x128xf32, #tpu.memory_space<vmem_shared>> -> memref<1x128xf32, #tpu.memory_space<vmem_shared>>
      %dma_wait3A_288 = tpu.memref_squeeze %dma_wait3A_287 : memref<1x128xf32, #tpu.memory_space<vmem_shared>> -> memref<128xf32, #tpu.memory_space<vmem_shared>>
      %dma_wait3A_289 = arith.constant 0 : i32
      %dma_wait3A_290 = tpu.memref_slice %arg11[%arg1, %dma_wait3A_289] : memref<16x128xf32, #tpu.memory_space<vmem_shared>> -> memref<1x128xf32, #tpu.memory_space<vmem_shared>>
      %dma_wait3A_291 = tpu.memref_squeeze %dma_wait3A_290 : memref<1x128xf32, #tpu.memory_space<vmem_shared>> -> memref<128xf32, #tpu.memory_space<vmem_shared>>
      tpu.wait_dma2 semaphore(%run_scoped3A : memref<!tpu.dma_semaphore, #tpu.memory_space<semaphore_mem>>) src(%arg9 : memref<128xf32, #tpu.memory_space<vmem>>) dst(%dma_wait3A_291 : memref<128xf32, #tpu.memory_space<vmem_shared>>)
      tpu.yield
    }) : () -> ()
    %barrier3A = arith.constant 0 : index
    tpu.barrier barrier_id(%barrier3A)
    %eq3A_277 = arith.constant 0 : i32
    %eq3A_278 = arith.cmpi eq, %arg1, %eq3A_277 : i32
    %convert_element_type3A = arith.extui %eq3A_278 : i1 to i32
    %cond3A = arith.constant 0 : i32
    %cond3A_279 = arith.cmpi ne, %convert_element_type3A, %cond3A : i32
    scf.if %cond3A_279 {
      "tpu.region"() ({
        %run_scoped3A = tpu.sem_alloc : memref<!tpu.dma_semaphore, #tpu.memory_space<semaphore_mem>>
        tpu.enqueue_dma source(%arg11 : memref<16x128xf32, #tpu.memory_space<vmem_shared>>) target(%arg10 : memref<16x128xf32, #tpu.memory_space<vmem>>) target_semaphore(%run_scoped3A : memref<!tpu.dma_semaphore, #tpu.memory_space<semaphore_mem>>)
        tpu.wait_dma2 semaphore(%run_scoped3A : memref<!tpu.dma_semaphore, #tpu.memory_space<semaphore_mem>>) src(%arg11 : memref<16x128xf32, #tpu.memory_space<vmem_shared>>) dst(%arg10 : memref<16x128xf32, #tpu.memory_space<vmem>>)
        tpu.yield
      }) : () -> ()
      %get3A = arith.constant 0 : i32
      %get3A_280 = arith.index_cast %get3A : i32 to index
      %get3A_281 = arith.constant 0 : index
      %get3A_282 = tpu.vector_load %arg10[%get3A_280, %get3A_281] {strides = array<i32>} : memref<16x128xf32, #tpu.memory_space<vmem>>, vector<1x16xf32>,
      %get3A_283 = vector.shape_cast %get3A_282 : vector<1x16xf32> to vector<16xf32>
      %add3A_284 = arith.addf %broadcast_in_dim3A_13, %get3A_283 : vector<16xf32>
      %get3A_285 = arith.constant 1 : i32
      %get3A_286 = arith.index_cast %get3A_285 : i32 to index
      %get3A_287 = arith.constant 0 : index
      %get3A_288 = tpu.vector_load %arg10[%get3A_286, %get3A_287] {strides = array<i32>} : memref<16x128xf32, #tpu.memory_space<vmem>>, vector<1x16xf32>,
      %get3A_289 = vector.shape_cast %get3A_288 : vector<1x16xf32> to vector<16xf32>
      %add3A_290 = arith.addf %add3A_284, %get3A_289 : vector<16xf32>
      %get3A_291 = arith.constant 2 : i32
      %get3A_292 = arith.index_cast %get3A_291 : i32 to index
      %get3A_293 = arith.constant 0 : index
      %get3A_294 = tpu.vector_load %arg10[%get3A_292, %get3A_293] {strides = array<i32>} : memref<16x128xf32, #tpu.memory_space<vmem>>, vector<1x16xf32>,
      %get3A_295 = vector.shape_cast %get3A_294 : vector<1x16xf32> to vector<16xf32>
      %add3A_296 = arith.addf %add3A_290, %get3A_295 : vector<16xf32>
      %get3A_297 = arith.constant 3 : i32
      %get3A_298 = arith.index_cast %get3A_297 : i32 to index
      %get3A_299 = arith.constant 0 : index
      %get3A_300 = tpu.vector_load %arg10[%get3A_298, %get3A_299] {strides = array<i32>} : memref<16x128xf32, #tpu.memory_space<vmem>>, vector<1x16xf32>,
      %get3A_301 = vector.shape_cast %get3A_300 : vector<1x16xf32> to vector<16xf32>
      %add3A_302 = arith.addf %add3A_296, %get3A_301 : vector<16xf32>
      %get3A_303 = arith.constant 4 : i32
      %get3A_304 = arith.index_cast %get3A_303 : i32 to index
      %get3A_305 = arith.constant 0 : index
      %get3A_306 = tpu.vector_load %arg10[%get3A_304, %get3A_305] {strides = array<i32>} : memref<16x128xf32, #tpu.memory_space<vmem>>, vector<1x16xf32>,
      %get3A_307 = vector.shape_cast %get3A_306 : vector<1x16xf32> to vector<16xf32>
      %add3A_308 = arith.addf %add3A_302, %get3A_307 : vector<16xf32>
      %get3A_309 = arith.constant 5 : i32
      %get3A_310 = arith.index_cast %get3A_309 : i32 to index
      %get3A_311 = arith.constant 0 : index
      %get3A_312 = tpu.vector_load %arg10[%get3A_310, %get3A_311] {strides = array<i32>} : memref<16x128xf32, #tpu.memory_space<vmem>>, vector<1x16xf32>,
      %get3A_313 = vector.shape_cast %get3A_312 : vector<1x16xf32> to vector<16xf32>
      %add3A_314 = arith.addf %add3A_308, %get3A_313 : vector<16xf32>
      %get3A_315 = arith.constant 6 : i32
      %get3A_316 = arith.index_cast %get3A_315 : i32 to index
      %get3A_317 = arith.constant 0 : index
      %get3A_318 = tpu.vector_load %arg10[%get3A_316, %get3A_317] {strides = array<i32>} : memref<16x128xf32, #tpu.memory_space<vmem>>, vector<1x16xf32>,
      %get3A_319 = vector.shape_cast %get3A_318 : vector<1x16xf32> to vector<16xf32>
      %add3A_320 = arith.addf %add3A_314, %get3A_319 : vector<16xf32>
      %get3A_321 = arith.constant 7 : i32
      %get3A_322 = arith.index_cast %get3A_321 : i32 to index
      %get3A_323 = arith.constant 0 : index
      %get3A_324 = tpu.vector_load %arg10[%get3A_322, %get3A_323] {strides = array<i32>} : memref<16x128xf32, #tpu.memory_space<vmem>>, vector<1x16xf32>,
      %get3A_325 = vector.shape_cast %get3A_324 : vector<1x16xf32> to vector<16xf32>
      %add3A_326 = arith.addf %add3A_320, %get3A_325 : vector<16xf32>
      %get3A_327 = arith.constant 8 : i32
      %get3A_328 = arith.index_cast %get3A_327 : i32 to index
      %get3A_329 = arith.constant 0 : index
      %get3A_330 = tpu.vector_load %arg10[%get3A_328, %get3A_329] {strides = array<i32>} : memref<16x128xf32, #tpu.memory_space<vmem>>, vector<1x16xf32>,
      %get3A_331 = vector.shape_cast %get3A_330 : vector<1x16xf32> to vector<16xf32>
      %add3A_332 = arith.addf %add3A_326, %get3A_331 : vector<16xf32>
      %get3A_333 = arith.constant 9 : i32
      %get3A_334 = arith.index_cast %get3A_333 : i32 to index
      %get3A_335 = arith.constant 0 : index
      %get3A_336 = tpu.vector_load %arg10[%get3A_334, %get3A_335] {strides = array<i32>} : memref<16x128xf32, #tpu.memory_space<vmem>>, vector<1x16xf32>,
      %get3A_337 = vector.shape_cast %get3A_336 : vector<1x16xf32> to vector<16xf32>
      %add3A_338 = arith.addf %add3A_332, %get3A_337 : vector<16xf32>
      %get3A_339 = arith.constant 10 : i32
      %get3A_340 = arith.index_cast %get3A_339 : i32 to index
      %get3A_341 = arith.constant 0 : index
      %get3A_342 = tpu.vector_load %arg10[%get3A_340, %get3A_341] {strides = array<i32>} : memref<16x128xf32, #tpu.memory_space<vmem>>, vector<1x16xf32>,
      %get3A_343 = vector.shape_cast %get3A_342 : vector<1x16xf32> to vector<16xf32>
      %add3A_344 = arith.addf %add3A_338, %get3A_343 : vector<16xf32>
      %get3A_345 = arith.constant 11 : i32
      %get3A_346 = arith.index_cast %get3A_345 : i32 to index
      %get3A_347 = arith.constant 0 : index
      %get3A_348 = tpu.vector_load %arg10[%get3A_346, %get3A_347] {strides = array<i32>} : memref<16x128xf32, #tpu.memory_space<vmem>>, vector<1x16xf32>,
      %get3A_349 = vector.shape_cast %get3A_348 : vector<1x16xf32> to vector<16xf32>
      %add3A_350 = arith.addf %add3A_344, %get3A_349 : vector<16xf32>
      %get3A_351 = arith.constant 12 : i32
      %get3A_352 = arith.index_cast %get3A_351 : i32 to index
      %get3A_353 = arith.constant 0 : index
      %get3A_354 = tpu.vector_load %arg10[%get3A_352, %get3A_353] {strides = array<i32>} : memref<16x128xf32, #tpu.memory_space<vmem>>, vector<1x16xf32>,
      %get3A_355 = vector.shape_cast %get3A_354 : vector<1x16xf32> to vector<16xf32>
      %add3A_356 = arith.addf %add3A_350, %get3A_355 : vector<16xf32>
      %get3A_357 = arith.constant 13 : i32
      %get3A_358 = arith.index_cast %get3A_357 : i32 to index
      %get3A_359 = arith.constant 0 : index
      %get3A_360 = tpu.vector_load %arg10[%get3A_358, %get3A_359] {strides = array<i32>} : memref<16x128xf32, #tpu.memory_space<vmem>>, vector<1x16xf32>,
      %get3A_361 = vector.shape_cast %get3A_360 : vector<1x16xf32> to vector<16xf32>
      %add3A_362 = arith.addf %add3A_356, %get3A_361 : vector<16xf32>
      %get3A_363 = arith.constant 14 : i32
      %get3A_364 = arith.index_cast %get3A_363 : i32 to index
      %get3A_365 = arith.constant 0 : index
      %get3A_366 = tpu.vector_load %arg10[%get3A_364, %get3A_365] {strides = array<i32>} : memref<16x128xf32, #tpu.memory_space<vmem>>, vector<1x16xf32>,
      %get3A_367 = vector.shape_cast %get3A_366 : vector<1x16xf32> to vector<16xf32>
      %add3A_368 = arith.addf %add3A_362, %get3A_367 : vector<16xf32>
      %get3A_369 = arith.constant 15 : i32
      %get3A_370 = arith.index_cast %get3A_369 : i32 to index
      %get3A_371 = arith.constant 0 : index
      %get3A_372 = tpu.vector_load %arg10[%get3A_370, %get3A_371] {strides = array<i32>} : memref<16x128xf32, #tpu.memory_space<vmem>>, vector<1x16xf32>,
      %get3A_373 = vector.shape_cast %get3A_372 : vector<1x16xf32> to vector<16xf32>
      %add3A_374 = arith.addf %add3A_368, %get3A_373 : vector<16xf32>
      %jit3A_375 = arith.constant 0 : i32
      %jit3A_376 = arith.constant 2 : i32
      %broadcast_in_dim3A_377 = vector.broadcast %jit3A_375 : i32 to vector<16xi32>
      %broadcast_in_dim3A_378 = vector.broadcast %jit3A_376 : i32 to vector<16xi32>
      %select_n3A_379 = arith.select %lt3A_36, %broadcast_in_dim3A_377, %broadcast_in_dim3A_378 : vector<16xi1>, vector<16xi32>
      %add3A_380 = arith.constant 1 : i32
      %add3A_381 = vector.broadcast %add3A_380 : i32 to vector<16xi32>
      %add3A_382 = arith.addi %select_n3A_379, %add3A_381 : vector<16xi32>
      %lt3A_383 = arith.constant 0 : i32
      %lt3A_384 = vector.broadcast %lt3A_383 : i32 to vector<16xi32>
      %lt3A_385 = arith.cmpi slt, %select_n3A_379, %lt3A_384 : vector<16xi32>
      %add3A_386 = arith.constant 16 : i32
      %add3A_387 = vector.broadcast %add3A_386 : i32 to vector<16xi32>
      %add3A_388 = arith.addi %select_n3A_379, %add3A_387 : vector<16xi32>
      %select_n3A_389 = arith.select %lt3A_385, %add3A_388, %select_n3A_379 : vector<16xi1>, vector<16xi32>
      %broadcast_in_dim3A_390 = vector.shape_cast %select_n3A_389 : vector<16xi32> to vector<16x1xi32>
      %gather3A_391 = vector.shape_cast %broadcast_in_dim3A_390 : vector<16x1xi32> to vector<16xi32>
      %gather3A_392 = tpu.dynamic_gather %add3A_374[%gather3A_391] in [0] : vector<16xf32>, vector<16xi32> -> vector<16xf32>
      %lt3A_393 = arith.constant 0 : i32
      %lt3A_394 = vector.broadcast %lt3A_393 : i32 to vector<16xi32>
      %lt3A_395 = arith.cmpi slt, %add3A_382, %lt3A_394 : vector<16xi32>
      %add3A_396 = arith.constant 16 : i32
      %add3A_397 = vector.broadcast %add3A_396 : i32 to vector<16xi32>
      %add3A_398 = arith.addi %add3A_382, %add3A_397 : vector<16xi32>
      %select_n3A_399 = arith.select %lt3A_395, %add3A_398, %add3A_382 : vector<16xi1>, vector<16xi32>
      %broadcast_in_dim3A_400 = vector.shape_cast %select_n3A_399 : vector<16xi32> to vector<16x1xi32>
      %gather3A_401 = vector.shape_cast %broadcast_in_dim3A_400 : vector<16x1xi32> to vector<16xi32>
      %gather3A_402 = tpu.dynamic_gather %add3A_374[%gather3A_401] in [0] : vector<16xf32>, vector<16xi32> -> vector<16xf32>
      %div3A = arith.divf %gather3A_392, %gather3A_402 : vector<16xf32>
      %xor3A_403 = arith.constant 8 : i32
      %xor3A_404 = vector.broadcast %xor3A_403 : i32 to vector<16xi32>
      %xor3A_405 = arith.xori %iota3A, %xor3A_404 : vector<16xi32>
      %lt3A_406 = arith.constant 0 : i32
      %lt3A_407 = vector.broadcast %lt3A_406 : i32 to vector<16xi32>
      %lt3A_408 = arith.cmpi slt, %xor3A_405, %lt3A_407 : vector<16xi32>
      %add3A_409 = arith.constant 16 : i32
      %add3A_410 = vector.broadcast %add3A_409 : i32 to vector<16xi32>
      %add3A_411 = arith.addi %xor3A_405, %add3A_410 : vector<16xi32>
      %select_n3A_412 = arith.select %lt3A_408, %add3A_411, %xor3A_405 : vector<16xi1>, vector<16xi32>
      %broadcast_in_dim3A_413 = vector.shape_cast %select_n3A_412 : vector<16xi32> to vector<16x1xi32>
      %gather3A_414 = vector.shape_cast %broadcast_in_dim3A_413 : vector<16x1xi32> to vector<16xi32>
      %gather3A_415 = tpu.dynamic_gather %div3A[%gather3A_414] in [0] : vector<16xf32>, vector<16xi32> -> vector<16xf32>
      %sub3A = arith.subf %div3A, %gather3A_415 : vector<16xf32>
      %abs3A = math.absf %sub3A : vector<16xf32>
      %swap3A_416 = arith.constant 0 : index
      %swap3A_417 = tpu.vector_load %arg9[%swap3A_416] {strides = array<i32>} : memref<128xf32, #tpu.memory_space<vmem>>, vector<16xf32>,
      %swap3A_418 = vector.shape_cast %swap3A_417 : vector<16xf32> to vector<16xf32>
      %swap3A_419 = vector.shape_cast %abs3A : vector<16xf32> to vector<16xf32>
      tpu.vector_store %arg9[%swap3A_416], %swap3A_419 {strides = array<i32>} : memref<128xf32, #tpu.memory_space<vmem>>, vector<16xf32>,
      "tpu.region"() ({
        %run_scoped3A = tpu.sem_alloc : memref<!tpu.dma_semaphore, #tpu.memory_space<semaphore_mem>>
        %dma_start3A_420 = arith.constant 0 : i32
        %dma_start3A_421 = tpu.memref_slice %arg9[%dma_start3A_420] : memref<128xf32, #tpu.memory_space<vmem>> -> memref<16xf32, #tpu.memory_space<vmem>>
        %dma_start3A_422 = arith.constant 0 : i32
        %dma_start3A_423 = tpu.memref_slice %arg9[%dma_start3A_422] : memref<128xf32, #tpu.memory_space<vmem>> -> memref<16xf32, #tpu.memory_space<vmem>>
        tpu.enqueue_dma source(%dma_start3A_423 : memref<16xf32, #tpu.memory_space<vmem>>) target(%arg5 : memref<16xf32, #tpu.memory_space<hbm>>) target_semaphore(%run_scoped3A : memref<!tpu.dma_semaphore, #tpu.memory_space<semaphore_mem>>)
        %dma_wait3A_424 = arith.constant 0 : i32
        %dma_wait3A_425 = tpu.memref_slice %arg9[%dma_wait3A_424] : memref<128xf32, #tpu.memory_space<vmem>> -> memref<16xf32, #tpu.memory_space<vmem>>
        %dma_wait3A_426 = arith.constant 0 : i32
        %dma_wait3A_427 = tpu.memref_slice %arg9[%dma_wait3A_426] : memref<128xf32, #tpu.memory_space<vmem>> -> memref<16xf32, #tpu.memory_space<vmem>>
        tpu.wait_dma2 semaphore(%run_scoped3A : memref<!tpu.dma_semaphore, #tpu.memory_space<semaphore_mem>>) src(%dma_wait3A_427 : memref<16xf32, #tpu.memory_space<vmem>>) dst(%arg5 : memref<16xf32, #tpu.memory_space<hbm>>)
        tpu.yield
      }) : () -> ()
    } else {
    }
    return
  }
}

</mosaic_0001>

<sc_bundles>
// kernel: kernel.3.cloned.1.call-start
scs
__scs_entry_jumppad:
0x0: {  	(pc) =	sbr.rel $0x88, $3  }
0x1: {  	(tag) =	ssettag $0x0;
	lr =	simm.s32 $0x1  }
0x2: {  	[smem:$0x3F9E] =	sst lr;
	_ =	strace $0xD0000000  }
0x3: {  	_ = 	snop  }
0x4: {  	_ = 	snop  }
0x5: {  	_ = 	snop  }
0x6: {  	_ = 	snop  }
0x7: {  	_ = 	snop  }
__scs_overlays_trampoline_lowered:
0x8: {  	[smem:$0x3FAD] =	sst s0  }
0x9: {  	[smem:$0x3FAE] =	sst s1  }
0xa: {  	[smem:$0x3FAF] =	sst s2  }
0xb: {  	[smem:$0x3FB0] =	sst s3  }
0xc: {  	[smem:$0x3FB1] =	sst s4  }
0xd: {  	[smem:$0x3FB2] =	sst s5  }
0xe: {  	[smem:$0x3FB3] =	sst s6  }
0xf: {  	[smem:$0x3FB4] =	sst s7  }
0x10: {  	[smem:$0x3FB5] =	sst s8  }
0x11: {  	[smem:$0x3FB6] =	sst s9;
	s0 =	simm.s32 @!p0 $0x0  }
0x12: {  	s1 =	sld [smem:$0x3F9C];
	s0 =	simm.s32 @p0 $0x1  }
0x13: {  	[smem:$0x3FB7] =	sst s0;
	s0 =	simm.s32 @!p1 $0x0  }
0x14: {  	s2 =	sld [smem:$0x3F9B];
	s0 =	simm.s32 @p1 $0x1  }
0x15: {  	[smem:$0x3FB8] =	sst s0;
	s0 =	simm.s32 @!p2 $0x0  }
0x16: {  	s3 =	sld [smem:$0x3FDB];
	s0 =	simm.s32 @p2 $0x1  }
0x17: {  	s4 =	simm.s32 $0x1BF5;
	[smem:$0x3FBA] =	sst s0  }
0x18: {  	s0 =	sld [smem:$0x3F9D];
	_ =	swait.ge [sflag:s4], $0x0  }
0x19: {  	s7 =	sld [smem:$0x3F9E]  }
0x1a: {  	s8 =	sadd.s32 $0xFFFFE003, lr  }
0x1b: {  	s9 =	sadd.s32 $0xFFFFFEF7, lr;
	s5 =	simm.s32 $0xFFFFFFFF;
	p2 =	slt.u32 s8, $0xFFFFF086  }
0x1c: {  	p1 =	slt.u32 s9, $0xF7A;
	s5 =	simm.s32 @!p2 $0x0  }
0x1d: {  	s5 =	simm.s32 @p1 $0x1;
	p0 =	seq.s32 s7, s2  }
0x1e: {  	s7 =	smul.u32 @!p0 $0xF7A, s2;
	p2 =	seq.s32 @!p0 s5, $0x0  }
0x1f: {  	s9 =	smul.u32 $0xF7A, s1;
	s8 =	simm.s32 @!p0 $0x1BF5;
	p2 =	por !p2, p0  }
0x20: {  	[sflag:s8] =	ssyncset.s32 @!p0 $0xFFFFF086;
	s6 =	sadd.s32 @!p0 s3, s7;
	s7 =	simm.s32 @!p0 $0x108  }
0x21: {  	s3 =	sadd.s32 s3, s9;
	s6 =	sadd.s32 @!p0 $0x88, s6;
	s7 =	simm.s32 @p2 $0x1082  }
0x22: {  	[simem:s7], [sflag:s8] =	dma.local @!p0 [hbm:s6], $0xF7A  }
0x23: {  	s9 =	sor.u32 $0xD0000000, s2;
	s6 =	simm.s32 $0x108;
	_ =	swait.ge @!p0 [sflag:s8], $0x0  }
0x24: {  	s3 =	sadd.s32 $0x88, s3;
	s6 =	simm.s32 @!p1 $0x1082;
	[sflag:s4] =	ssyncset.s32 $0xFFFFF086  }
0x25: {  	[simem:s6], [sflag:s4] =	dma.local [hbm:s3], $0xF7A  }
0x26: {  	[smem:$0x3F9E] =	sst s1;
	(tag) =	ssettag s2;
	_ =	strace s9  }
0x27: {  	s1 =	sld [smem:$0x3FAE]  }
0x28: {  	s2 =	sld [smem:$0x3FAF]  }
0x29: {  	s4 =	sld [smem:$0x3FB1]  }
0x2a: {  	p0 =	seq.s32 s5, $0x0;
	s5 =	sld [smem:$0x3FB2]  }
0x2b: {  	s6 =	sld [smem:$0x3FB3]  }
0x2c: {  	s7 =	sld [smem:$0x3FB4]  }
0x2d: {  	s3 =	simm.s32 $0x108;
	s8 =	sld [smem:$0x3FB5]  }
0x2e: {  	s3 =	simm.s32 @!p0 $0x1082;
	s9 =	sld [smem:$0x3FB6]  }
0x2f: {  	lr =	sadd.s32 s0, s3;
	s0 =	sld [smem:$0x3FAD]  }
0x30: {  	s3 =	sld [smem:$0x3FB0]  }
0x31: {  	[smem:$0x3FB9] =	sst s10  }
0x32: {  	s10 =	sld [smem:$0x3FB7];
	_ =	sdelay $0x3  }
0x33: {  	p0 =	seq.s32 s10, $0x1;
	s10 =	sld [smem:$0x3FB9];
	_ =	sdelay $0x3  }
0x34: {  	[smem:$0x3FB9] =	sst s10  }
0x35: {  	s10 =	sld [smem:$0x3FB8];
	_ =	sdelay $0x3  }
0x36: {  	p1 =	seq.s32 s10, $0x1;
	s10 =	sld [smem:$0x3FB9];
	_ =	sdelay $0x3  }
0x37: {  	[smem:$0x3FB9] =	sst s10  }
0x38: {  	s10 =	sld [smem:$0x3FBA]  }
0x39: {  	_ = 	snop;
	(pc) =	sbr.ind lr, $3  }
0x3a: {  	_ = 	snop  }
0x3b: {  	_ = 	snop  }
0x3c: {  	p2 =	seq.s32 s10, $0x1;
	s10 =	sld [smem:$0x3FB9]  }
0x3d: {  	_ =	shalt  }
0x3e: {  	_ =	shalt  }
0x3f: {  	_ =	shalt  }
0x40: {  	_ =	shalt  }
0x41: {  	_ =	shalt  }
0x42: {  	_ =	shalt  }
0x43: {  	_ =	shalt  }
0x44: {  	_ =	shalt  }
0x45: {  	_ =	shalt  }
0x46: {  	_ =	shalt  }
0x47: {  	_ =	shalt  }
0x48: {  	_ =	shalt  }
0x49: {  	_ =	shalt  }
0x4a: {  	_ =	shalt  }
0x4b: {  	_ =	shalt  }
0x4c: {  	_ =	shalt  }
0x4d: {  	_ =	shalt  }
0x4e: {  	_ =	shalt  }
0x4f: {  	_ =	shalt  }
0x50: {  	_ =	shalt  }
0x51: {  	_ =	shalt  }
0x52: {  	_ =	shalt  }
0x53: {  	_ =	shalt  }
0x54: {  	_ =	shalt  }
0x55: {  	_ =	shalt  }
0x56: {  	_ =	shalt  }
0x57: {  	_ =	shalt  }
0x58: {  	_ =	shalt  }
0x59: {  	_ =	shalt  }
0x5a: {  	_ =	shalt  }
0x5b: {  	_ =	shalt  }
0x5c: {  	_ =	shalt  }
0x5d: {  	_ =	shalt  }
0x5e: {  	_ =	shalt  }
0x5f: {  	_ =	shalt  }
0x60: {  	_ =	shalt  }
0x61: {  	_ =	shalt  }
0x62: {  	_ =	shalt  }
0x63: {  	_ =	shalt  }
0x64: {  	_ =	shalt  }
0x65: {  	_ =	shalt  }
0x66: {  	_ =	shalt  }
0x67: {  	_ =	shalt  }
0x68: {  	_ =	shalt  }
0x69: {  	_ =	shalt  }
0x6a: {  	_ =	shalt  }
0x6b: {  	_ =	shalt  }
0x6c: {  	_ =	shalt  }
0x6d: {  	_ =	shalt  }
0x6e: {  	_ =	shalt  }
0x6f: {  	_ =	shalt  }
0x70: {  	_ =	shalt  }
0x71: {  	_ =	shalt  }
0x72: {  	_ =	shalt  }
0x73: {  	_ =	shalt  }
0x74: {  	_ =	shalt  }
0x75: {  	_ =	shalt  }
0x76: {  	_ =	shalt  }
0x77: {  	_ =	shalt  }
0x78: {  	_ =	shalt  }
0x79: {  	_ =	shalt  }
0x7a: {  	_ =	shalt  }
0x7b: {  	_ =	shalt  }
0x7c: {  	_ =	shalt  }
0x7d: {  	_ =	shalt  }
0x7e: {  	_ =	shalt  }
0x7f: {  	_ =	shalt  }
0x80: {  	_ =	shalt  }
0x81: {  	_ =	shalt  }
0x82: {  	_ =	shalt  }
0x83: {  	_ =	shalt  }
0x84: {  	_ =	shalt  }
0x85: {  	_ =	shalt  }
0x86: {  	_ =	shalt  }
0x87: {  	_ =	shalt  }
.Lfunc_end0:
.L_simem_size_0:
called_computation_lowered:
.L_overlay_start_0:
0x88: {  	s0 =	sld [smem:$0x3FD9]  }
0x89: {  	s1 =	sld [smem:$0x3FFE];
	_ =	sdelay $0x3  }
0x8a: {  	s0 =	sadd.s32 s1, s0  }
0x8b: {  	[smem:$0x3FC5] =	sst s0  }
0x8c: {  	_ = 	snop  }
0x8d: {  	s0 =	sld [smem:$0x3FC8]  }
0x8e: {  	s16 =	sld [smem:$0x3FC7]  }
0x8f: {  	s2 =	sld [smem:$0x3FD0];
	(tm) =	ssettm $0x1  }
0x90: {  	s3 =	sld [smem:$0x3FFB];
	_ =	sdelay $0x3  }
0x91: {  	_ =	strace s3  }
0x92: {  	s3 =	sld [smem:$0x3FFC];
	_ =	sdelay $0x3  }
0x93: {  	_ =	strace s3  }
0x94: {  	s3 =	sld [smem:$0x3FFD];
	_ =	sdelay $0x3  }
0x95: {  	_ =	strace s3  }
0x96: {  	_ =	strace $0x8FFFFFFF  }
0x97: {  	s17 =	sld [smem:$0x3FDB];
	_ =	sdelay $0x1  }
0x98: {  	s4 =	simm.s32 $_scs_section_size  }
0x99: {  	s5 =	simm.s32 $_size__tile_overlayer_lowered;
	s6 =	simm.s32 $_tile_overlayer_lowered  }
0x9a: {  	s20 =	simm.s32 $0x1BFF;
	s19 =	sshll.u32 s6, $0x1;
	s3 =	sadd.s32 s4, s17  }
0x9b: {  	s7 =	simm.s32 $0x0;
	s18 =	sshll.u32 s5, $0x1;
	s5 =	sadd.s32 s19, s3  }
0x9c: {  	[timem:s7], [sflag:s20] =	dma.local [hbm:s5], s18  }
0x9d: {  	_ =	swait.ge [sflag:s20], s18  }
0x9e: {  	s4 =	ssub.s32 $0x0, s18;
	[sflag:s20] =	ssyncset.done $0x0  }
0x9f: {  	[sflag:s20] =	ssyncadd.s32 s4;
	_ =	sdelay $0x1  }
0xa0: {  	s21 =	simm.s32 $0x1B8B  }
0xa1: {  	_ =	swait.ge [sflag:s21], $0x1  }
0xa2: {  	[sflag:s21] =	ssyncset.done $0x0  }
0xa3: {  	s23 =	simm.s32 $0x1B8E;
	s22 =	sld [smem:$0x3FFE];
	[sflag:s21] =	ssyncadd.s32 $0xFFFFFFFF  }
0xa4: {  	s24 =	simm.s32 $execute0_lowered;
	[smem:$0x3FD2] =	sst s23  }
0xa5: {  	s5 =	sshll.u32 s24, $0x1;
	_ =	strace $0x80000046;
	[dreg:$0x1] =	wrdreg $0xFFFFFFFF  }
0xa6: {  	s25 =	simm.s32 $_size_execute0_lowered;
	s3 =	sadd.s32 s3, s5;
	[dreg:$0x0] =	wrdreg $0x0  }
0xa7: {  	s5 =	sshll.u32 s25, $0x1;
	[dreg:$0x2] =	wrdreg s3  }
0xa8: {  	[dreg:$0x3] =	wrdreg s5  }
0xa9: {  	[dreg:$0x4] =	wrdreg $0xC0  }
0xaa: {  	_ =	task [dreg:s7], $0x5FFFF  }
0xab: {  	[dreg:$0x1] =	wrdreg $0xFFFFFFFF  }
0xac: {  	[dreg:$0x0] =	wrdreg $0x60  }
0xad: {  	[dreg:$0x2] =	wrdreg s22  }
0xae: {  	[dreg:$0x3] =	wrdreg s0  }
0xaf: {  	[dreg:$0x4] =	wrdreg s16  }
0xb0: {  	[dreg:$0x5] =	wrdreg s2  }
0xb1: {  	[dreg:$0x6] =	wrdreg $0x18800  }
0xb2: {  	[dreg:$0x7] =	wrdreg $0x9  }
0xb3: {  	_ =	task.clear_ibuf [dreg:s7], $0x8FFFF;
	_ =	strace $0x90000046  }
0xb4: {  	s26 =	simm.s32 $0x9;
	_ =	strace $0x80000048  }
0xb5: {  	_ =	swait.ge [sflag:s26], $0x1  }
0xb6: {  	[sflag:s26] =	ssyncadd.s32 $0xFFFFFFFF  }
0xb7: {  	_ =	strace $0x90000048  }
0xb8: {  	_ =	sfence  }
0xb9: {  	s28 =	sld [smem:$0x0];
	_ =	sdelay $0x1  }
0xba: {  	s29 =	srdreg.scid  }
0xbb: {  	s30 =	sshll.u32 s29, $0xD;
	s31 =	sshrl.u32 s29, $0x2  }
0xbc: {  	s1 =	sand.u32 $0x1, s29;
	s2 =	sand.u32 $0x4000, s30;
	s0 =	sadd.s32 s31, s28  }
0xbd: {  	s1 =	sor.u32 s2, s1;
	s0 =	sshll.u32 s0, $0x11  }
0xbe: {  	s0 =	sor.u32 s0, s1  }
0xbf: {  	s0 =	sadd.s32 $0x8F2B, s0  }
0xc0: {  	[sflag:s0] =	ssyncadd.remote.s32 $0x1  }
0xc1: {  	_ =	sfence.sel $0xFFFF  }
0xc2: {  	[dreg:$0x0] =	wrdreg $0xFFFFFFFF;
	(pc) =	sbr.abs _section_cstart, $3  }
0xc3: {  	[dreg:$0x1] =	wrdreg $0xFFFFFFFF  }
0xc4: {  	_ =	task.clear_ibuf [dreg:s7], $0x2FFFF;
	_ =	strace $0x9FFFFFFF  }
0xc5: {  	(tm) =	ssettm $0x7FFFFFFF  }
tec
execute0_lowered:
.L_overlay_start_1:
0x0: {  	(tag) =	ssettag $0x1  }
0x1: {  	s4 =	rddreg [dreg:$0x0]  }
0x2: {  	s5 =	rddreg [dreg:$0x1]  }
0x3: {  	s6 =	rddreg [dreg:$0x2]  }
0x4: {  	s1 =	rddreg [dreg:$0x3]  }
0x5: {  	s2 =	rddreg [dreg:$0x4];
	s3 =	stileid.u32  }
0x6: {  	s0 =	rddreg [dreg:$0x5];
	s7 =	simm.s32 $0x0;
	s8 =	sshll.u32 s3, $0x8  }
0x7: {  	[smem:$0x7FF] =	sst s7;
	s4 =	sadd.s32 s8, s4  }
0x8: {  	_ =	strace $0x80000047;
	s8 =	sadd.s32 $0x400, s4;
	s4 =	sshll.u32 s3, $0x7  }
0x9: {  	[tilespmem:s7], [sflag:$0x1] =	stream.linear.gather [hbm4b:s8+s7], $0x800, $0x38;
	[tilespmem:$0x1900] =	vst v63  }
0xa: {  	s21 =	simm.s32 $0x800;
	s5 =	sadd.s32 s5, s4  }
0xb: {  	[tilespmem:s21], [sflag:$0x2] =	stream.linear.gather [hbm4b:s5+s7], $0x400, $0x38;
	[tilespmem:$0x1900] =	vst v63  }
0xc: {  	s23 =	simm.s32 $0xC00;
	s24 =	simm.s32 $0x1;
	s22 =	sadd.s32 s6, s4  }
0xd: {  	[tilespmem:s23], [sflag:$0x3] =	stream.linear.gather [hbm4b:s22+s7], $0x400, $0x38;
	[tilespmem:$0x1900] =	vst v63  }
0xe: {  	_ =	swait.ge [sflag:s24], $0x800  }
0xf: {  	[sflag:s24] =	ssyncset.done $0x0  }
0x10: {  	s25 =	simm.s32 $0x2;
	[sflag:s24] =	ssyncadd.s32 $0xFFFFF800  }
0x11: {  	_ =	swait.ge [sflag:s25], $0x400  }
0x12: {  	[sflag:s25] =	ssyncset.done $0x0  }
0x13: {  	s26 =	simm.s32 $0x3;
	[sflag:s25] =	ssyncadd.s32 $0xFFFFFC00  }
0x14: {  	_ =	swait.ge [sflag:s26], $0x400  }
0x15: {  	[sflag:s26] =	ssyncset.done $0x0  }
0x16: {  	s28 =	simm.s32 $0x20;
	[sflag:s26] =	ssyncadd.s32 $0xFFFFFC00  }
0x17: {  	v1 =	vld [tilespmem:s28+$0xFFFFFFE0]  }
0x18: {  	s29 =	simm.s32 $0x0;
	v2 =	vld [tilespmem:s28+$0x10]  }
0x19: {  	v5 =	vld [tilespmem:s29+$0xC10]  }
0x1a: {  	v3 =	vld [tilespmem:s28+$0x0]  }
0x1b: {  	v4 =	vld [tilespmem:s29+$0x800]  }
0x1c: {  	v6 =	vld [tilespmem:s29+$0x810]  }
0x1d: {  	v0 =	vlaneseq.u32;
	v7 =	vld [tilespmem:s29+$0xC00]  }
0x1e: {  	s30 =	simm.s32 $0x60;
	v0 =	vand.u32 $0x7, v0;
	v8 =	vld [tilespmem:s28+$0xFFFFFFF0]  }
0x1f: {  	v0 =	vmul.u32 $0x2, v0;
	v10 =	vld [tilespmem:s30+$0xFFFFFFE0];
	_ =	sdelay $0x1  }
0x20: {  	v9 =	vimm.f32 $0.0e+00;
	v0 =	vor.u32 $0x1, v0;
	v13 =	vld [tilespmem:s30+$0x0]  }
0x21: {  	vm0 =	vmmov $0xff;
	v11 =	vperm.xlane v1, v0;
	v15 =	vmul.u32 v4, v7  }
0x22: {  	s31 =	simm.s32 $0x20;
	v12 =	vperm.xlane v3, v0;
	v16 =	vmul.u32 v6, v5;
	v4 =	vld [tilespmem:s30+$0x10];
	v8 =	vperm.xlane v8, v0  }
0x23: {  	v18 =	vperm.xlane v2, v0;
	v3 =	vld [tilespmem:s31+$0xC10];
	v1 =	vperm.xlane v10, v0;
	v6 =	vsub.s32 v7, v15  }
0x24: {  	v5 =	vsub.s32 v5, v16;
	v14 =	vsel vm0, v11, v8;
	v17 =	vcvt.s32.f32 v15;
	v11 =	vld [tilespmem:s31+$0x810]  }
0x25: {  	v7 =	vsel vm0, v12, v18;
	v15 =	vperm.xlane v13, v0;
	v8 =	vld [tilespmem:s31+$0xC00];
	v19 =	vcvt.s32.f32 v6  }
0x26: {  	v13 =	vimm.f32 $0.0e+00;
	v12 =	vimm.f32 $0.0e+00;
	v10 =	vcvt.s32.f32 v5;
	v6 =	vld [tilespmem:s31+$0x800]  }
0x27: {  	s6 =	simm.s32 $0xA0;
	s5 =	simm.s32 $0x100;
	v2 =	vld [tilespmem:s30+$0xFFFFFFF0];
	v5 =	vcvt.s32.f32 v16;
	v18 =	vmul.f32 v19, v14;
	v16 =	vadd.f32 v19, v9  }
.LBB2_1:
0x28: {  	s7 =	sshra.s32 s5, $0x2;
	v19 =	vld [tilespmem:s6+$0xFFFFFFE0];
	p0 =	sne.s32 s5, $0xF80;
	s5 =	sadd.s32 $0x80, s5;
	v20 =	vperm.xlane v4, v0;
	v14 =	vmul.f32 v17, v14;
	v9 =	vadd.f32 v17, v9  }
0x29: {  	v17 =	vmul.f32 v10, v7;
	v4 =	vld [tilespmem:s6+$0x10];
	v13 =	vadd.f32 v18, v13;
	v18 =	vmul.f32 v5, v7  }
0x2a: {  	v16 =	vadd.f32 v10, v16;
	v21 =	vld [tilespmem:s7+$0xC10];
	v7 =	vsel vm0, v15, v20;
	v12 =	vadd.f32 v14, v12  }
0x2b: {  	v22 =	vmul.u32 v11, v3;
	v15 =	vld [tilespmem:s6+$0x0];
	v20 =	vmul.u32 v6, v8;
	v13 =	vadd.f32 v17, v13  }
.Ltmp0:
0x2c: {  	v10 =	vperm.xlane v2, v0;
	v9 =	vadd.f32 v5, v9;
	v2 =	vld [tilespmem:s6+$0xFFFFFFF0];
	v12 =	vadd.f32 v18, v12;
	(pc) =	sbr.rel @p0 .LBB2_1-.Ltmp0, $4  }
0x2d: {  	v23 =	vsub.s32 v3, v22;
	v6 =	vld [tilespmem:s7+$0x800];
	v18 =	vperm.xlane v19, v0;
	v5 =	vsub.s32 v8, v20  }
0x2e: {  	v14 =	vsel vm0, v1, v10;
	v10 =	vcvt.s32.f32 v23;
	v11 =	vld [tilespmem:s7+$0x810];
	v19 =	vcvt.s32.f32 v5  }
0x2f: {  	v17 =	vcvt.s32.f32 v20;
	v5 =	vcvt.s32.f32 v22;
	v8 =	vld [tilespmem:s7+$0xC00];
	v3 =	vmovc v21;
	v1 =	vmov v18  }
0x30: {  	s6 =	sadd.s32 $0x40, s6;
	v15 =	vperm.xlane v15, v0;
	v18 =	vmul.f32 v19, v14;
	v16 =	vadd.f32 v19, v16  }
0x31: {  	v4 =	vperm.xlane v4, v0  }
0x32: {  	v14 =	vmul.f32 v17, v14;
	v9 =	vadd.f32 v17, v9;
	v30 =	vmul.f32 v10, v7  }
0x33: {  	v31 =	vmul.f32 v5, v7;
	v0 =	vperm.xlane v2, v0;
	v37 =	vimm.s32 $0xFEDCBA98  }
0x34: {  	v38 =	vimm.s32 $0x76543210;
	v42 =	vimm.s32 $0xBA98FEDC;
	v43 =	vimm.s32 $0x32107654  }
0x35: {  	v48 =	vimm.s32 $0xDCFE98BA;
	v49 =	vimm.s32 $0x54761032;
	v55 =	vimm.s32 $0xEFCDAB89  }
0x36: {  	v56 =	vimm.s32 $0x67452301;
	v13 =	vadd.f32 v18, v13;
	v32 =	vadd.f32 v10, v16  }
0x37: {  	v40 =	vunpack.c.l.s4.s8 v38;
	v4 =	vsel vm0, v15, v4;
	v12 =	vadd.f32 v14, v12  }
0x38: {  	v11 =	vmul.u32 v11, v3;
	v34 =	vadd.f32 v5, v9;
	v0 =	vsel vm0, v1, v0  }
0x39: {  	v9 =	vunpack.c.l.s4.s8 v37;
	v6 =	vmul.u32 v6, v8;
	v13 =	vadd.f32 v30, v13  }
0x3a: {  	v2 =	vadd.f32 v31, v12;
	v3 =	vsub.s32 v3, v11;
	v35 =	vcvt.s32.f32 v11  }
0x3b: {  	v9 =	vunpack.c.0.s8.s32 v9;
	v11 =	vunpack.c.l.s4.s8 v42;
	v33 =	vsub.s32 v8, v6  }
0x3c: {  	v12 =	vunpack.c.l.s4.s8 v43;
	v1 =	vcvt.s32.f32 v6;
	v7 =	vcvt.s32.f32 v33  }
0x3d: {  	v3 =	vcvt.s32.f32 v3;
	v8 =	vunpack.c.0.s8.s32 v40;
	v9 =	vand.u32 $0xF, v9  }
0x3e: {  	v44 =	vunpack.c.0.s8.s32 v11;
	v36 =	vmul.f32 v7, v0;
	v0 =	vmul.f32 v1, v0  }
0x3f: {  	v45 =	vunpack.c.0.s8.s32 v12;
	v41 =	vmul.f32 v3, v4;
	v1 =	vadd.f32 v1, v34  }
0x40: {  	v4 =	vmul.f32 v35, v4;
	v39 =	vadd.f32 v36, v13;
	v2 =	vadd.f32 v0, v2  }
0x41: {  	v7 =	vadd.f32 v7, v32;
	v0 =	vcombine.low v9, v8;
	v1 =	vadd.f32 v35, v1  }
0x42: {  	v50 =	vunpack.c.l.s4.s8 v48;
	v5 =	vadd.f32 v41, v39;
	v2 =	vadd.f32 v4, v2  }
0x43: {  	v47 =	vcombine.low v45, v44;
	v3 =	vadd.f32 v3, v7;
	v9 =	vperm.xlane v1, v0  }
0x44: {  	v51 =	vunpack.c.l.s4.s8 v49;
	v46 =	vperm.xlane v5, v0;
	v52 =	vperm.xlane v2, v0  }
0x45: {  	v6 =	vand.u32 $0xF, v47;
	v53 =	vperm.xlane v3, v0;
	v1 =	vadd.f32 v9, v1  }
0x46: {  	v7 =	vunpack.c.0.s8.s32 v51;
	v4 =	vadd.f32 v46, v5;
	v2 =	vadd.f32 v52, v2  }
0x47: {  	v3 =	vadd.f32 v53, v3;
	v5 =	vunpack.c.0.s8.s32 v50;
	v58 =	vperm.xlane v1, v6  }
0x48: {  	v8 =	vunpack.c.l.s4.s8 v56;
	v54 =	vperm.xlane v4, v6;
	v57 =	vperm.xlane v2, v6  }
0x49: {  	v5 =	vcombine.low v7, v5;
	v7 =	vunpack.c.l.s4.s8 v55;
	v6 =	vperm.xlane v3, v6  }
0x4a: {  	v8 =	vunpack.c.0.s8.s32 v8;
	v1 =	vadd.f32 v58, v1;
	v2 =	vadd.f32 v57, v2  }
0x4b: {  	v5 =	vand.u32 $0xF, v5;
	v7 =	vunpack.c.0.s8.s32 v7;
	v3 =	vadd.f32 v6, v3  }
0x4c: {  	v4 =	vadd.f32 v54, v4;
	v60 =	vperm.xlane v1, v5;
	v59 =	vperm.xlane v2, v5  }
0x4d: {  	v7 =	vcombine.low v8, v7;
	v61 =	vperm.xlane v3, v5  }
0x4e: {  	v5 =	vperm.xlane v4, v5;
	v1 =	vadd.f32 v60, v1;
	v2 =	vadd.f32 v59, v2  }
0x4f: {  	v62 =	vand.u32 $0xF, v7;
	v3 =	vadd.f32 v61, v3  }
0x50: {  	v4 =	vadd.f32 v5, v4;
	v7 =	vperm.xlane v1, v62;
	v63 =	vperm.xlane v2, v62  }
0x51: {  	v8 =	vperm.xlane v3, v62  }
0x52: {  	v6 =	vperm.xlane v4, v62;
	v1 =	vadd.f32 v7, v1;
	v2 =	vadd.f32 v63, v2  }
0x53: {  	vm13 =	vcmask $0x3F0C;
	v3 =	vadd.f32 v8, v3  }
0x54: {  	vm14 =	vcmask $0x3F08;
	v4 =	vadd.f32 v6, v4;
	v1 =	vsel vm13, v1, v2  }
0x55: {  	vm15 =	vmmov $0x1;
	v1 =	vsel vm14, v1, v3  }
0x56: {  	v1 =	vsel vm15, v4, v1  }
0x57: {  	s4 =	sadd.s32 s4, s2;
	s5 =	simm.s32 $0x1000;
	[tilespmem:$0x1000] =	vst v1  }
0x58: {  	[spmem:s4] =	stream.linear.scatter [tilespmem:s5], [sflag:$0x4], $0x80, $0x38;
	[tilespmem:$0x1900] =	vst v63  }
0x59: {  	s4 =	simm.s32 $0x4  }
0x5a: {  	_ =	swait.ge [sflag:s4], $0x80  }
0x5b: {  	[sflag:s4] =	ssyncset.done $0x0  }
0x5c: {  	[sflag:s4] =	ssyncadd.s32 $0xFFFFFF80  }
0x5d: {  	p0 =	sne.s32 s3, $0x0;
	[bflag:$0x0] =	sbarrier.arrive $0xFFFF  }
0x5e: {  	_ =	sfence.sel @p0 $0x180000  }
0x5f: {  	[bflag:$0x0] =	sbarrier.arrive @p0 $0xFFFF  }
0x60: {  	_ =	strace @p0 $0x90000047  }
0x61: {  	[bflag:$0x2] =	sbarrier.arrive @p0 $0xFFFF  }
0x62: {  	_ =	shalt @p0  }
.LBB2_3:
0x63: {  	s3 =	simm.s32 $0x1080  }
0x64: {  	[tilespmem:s3], [sflag:$0x4] =	stream.linear.gather [spmem:s2], $0x800, $0x38;
	[tilespmem:$0x1900] =	vst v63  }
0x65: {  	_ =	swait.ge [sflag:s4], $0x800  }
0x66: {  	[sflag:s4] =	ssyncset.done $0x0  }
0x67: {  	[sflag:s4] =	ssyncadd.s32 $0xFFFFF800  }
0x68: {  	v1 =	vld [tilespmem:$0x1080];
	_ =	sdelay $0x1  }
0x69: {  	v2 =	vld [tilespmem:$0x1100];
	_ =	sdelay $0x1  }
0x6a: {  	v3 =	vld [tilespmem:$0x1180]  }
0x6b: {  	v1 =	vadd.f32 $0.0e+00, v1  }
0x6c: {  	v4 =	vld [tilespmem:$0x1200]  }
0x6d: {  	v1 =	vadd.f32 v2, v1  }
0x6e: {  	v49 =	vld [tilespmem:$0x1280]  }
0x6f: {  	v1 =	vadd.f32 v3, v1  }
0x70: {  	v50 =	vld [tilespmem:$0x1300]  }
0x71: {  	v1 =	vadd.f32 v4, v1  }
0x72: {  	v51 =	vld [tilespmem:$0x1380]  }
0x73: {  	v1 =	vadd.f32 v49, v1  }
0x74: {  	v52 =	vld [tilespmem:$0x1400]  }
0x75: {  	v1 =	vadd.f32 v50, v1  }
0x76: {  	v53 =	vld [tilespmem:$0x1480]  }
0x77: {  	v1 =	vadd.f32 v51, v1  }
0x78: {  	v54 =	vld [tilespmem:$0x1500]  }
0x79: {  	v1 =	vadd.f32 v52, v1  }
0x7a: {  	v55 =	vld [tilespmem:$0x1580]  }
0x7b: {  	v1 =	vadd.f32 v53, v1  }
0x7c: {  	v56 =	vld [tilespmem:$0x1600]  }
0x7d: {  	v1 =	vadd.f32 v54, v1  }
0x7e: {  	v57 =	vld [tilespmem:$0x1680]  }
0x7f: {  	v1 =	vadd.f32 v55, v1  }
0x80: {  	v58 =	vld [tilespmem:$0x1700]  }
0x81: {  	v1 =	vadd.f32 v56, v1  }
0x82: {  	v59 =	vld [tilespmem:$0x1780]  }
0x83: {  	v1 =	vadd.f32 v57, v1  }
0x84: {  	v60 =	vld [tilespmem:$0x1800]  }
0x85: {  	v1 =	vadd.f32 v58, v1  }
0x86: {  	v61 =	vlaneseq.u32  }
0x87: {  	v2 =	vshrl.u32 v61, $0x3;
	v1 =	vadd.f32 v59, v1  }
0x88: {  	v2 =	vmul.u32 $0x2, v2  }
0x89: {  	v1 =	vadd.f32 v60, v1  }
0x8a: {  	v62 =	vor.u32 $0x1, v2  }
0x8b: {  	v3 =	vperm.xlane v1, v62;
	_ =	sdelay $0x1  }
0x8c: {  	(erf) = vrcp.f32 v3;
	_ =	sdelay $0x7  }
0x8d: {  	v1 =	vperm.xlane v1, v2  }
0x8e: {  	v63 =	vpop (erf)  }
0x8f: {  	v1 =	vmul.f32 v63, v1;
	_ =	sdelay $0x1  }
0x90: {  	v0 =	vperm.xlane v1, v0;
	_ =	sdelay $0x1  }
0x91: {  	v0 =	vsub.f32 v1, v0;
	_ =	sdelay $0x1  }
0x92: {  	v0 =	vand.u32 $0x7FFFFFFF, v0  }
0x93: {  	s31 =	simm.s32 $0x0;
	[tilespmem:$0x1000] =	vst v0  }
0x94: {  	[hbm4b:s1+s31] =	stream.linear.scatter [tilespmem:s5], [sflag:$0x4], $0x10, $0x38;
	[tilespmem:$0x1900] =	vst v63  }
0x95: {  	_ =	swait.ge [sflag:s4], $0x10  }
0x96: {  	[sflag:s4] =	ssyncset.done $0x0  }
0x97: {  	[sflag:s4] =	ssyncadd.s32 $0xFFFFFFF0  }
0x98: {  	_ =	sfence.sel $0x180000  }
0x99: {  	[bflag:$0x0] =	sbarrier.arrive $0xFFFF  }
0x9a: {  	_ =	strace $0x90000047  }
0x9b: {  	s0 =	sadd.s32 $0x100000, s0;
	[bflag:$0x2] =	sbarrier.arrive $0xFFFF  }
0x9c: {  	[sflag:s0] =	ssyncadd.tile.s32 $0x1;
	_ =	shalt  }
.Lfunc_end2:
_tile_overlayer_lowered:
.L_overlay_start_2:
0x9d: {  	(tag) =	ssettag $0x2  }
0x9e: {  	s0 =	rddreg [dreg:$0x0];
	s2 =	stileid.u32  }
0x9f: {  	s1 =	rddreg [dreg:$0x1];
	p0 =	sne.s32 s2, $0x0  }
0xa0: {  	s3 =	rddreg [dreg:$0x2];
	[bflag:$0x3] =	sbarrier.arrive $0xFFFF;
	s2 =	simm.s32 @!p0 $0x1C04  }
0xa1: {  	[timem:s3], [sflag:s2] =	dma.local @!p0 [hbm:s0], s1  }
0xa2: {  	s0 =	simm.s32 @!p0 $0x4  }
0xa3: {  	_ =	swait.ge @!p0 [sflag:s0], s1  }
0xa4: {  	s1 =	ssub.s32 @!p0 $0x0, s1;
	[sflag:s0] =	ssyncset.done @!p0 $0x0  }
0xa5: {  	[sflag:s0] =	ssyncadd.s32 @!p0 s1  }
0xa6: {  	[bflag:$0x3] =	sbarrier.arrive $0xFFFF  }
0xa7: {  	_ =	shalt  }

</sc_bundles>
